<compile_context>
chip_gen: v7x
topology: tpu7x:2x2x1
jax: 0.10.2.dev20260603
libtpu: 0.0.44.dev20260713+nightly
codegen_flags: <defaults>
</compile_context>

<pallas_src>
import functools

import jax
import jax.numpy as jnp
from jax import lax
from jax.experimental import pallas as pl
from jax.experimental.pallas import tpu as pltpu
from jax.experimental.pallas import tpu_sc as plsc

B, K, A, D = 1024, 32, 8, 128
BK = B * K

NC, NS = 2, 16
NW = NC * NS
CH = 64
ACH_S = 32
ACH_R = ACH_S * A

NSPLIT = 1
BH = B // NSPLIT


def _sc_gather_body(neigh_hbm, rel_hbm, attr_hbm, node_hbm,
                    v2e_hbm, r2e_hbm, va2e_hbm, u2e_hbm,
                    n_out, r_out, a_out, s_out,
                    idx_n, idx_r, idx_a, idx_s,
                    bufn0, bufn1, bufr0, bufr1,
                    abuf0, abuf1, sbuf0, sbuf1, sebuf,
                    gsem, wsem, asem, awsem, ssem,
                    *, slots_w, self_w, phase):
    n_ch = slots_w // CH
    n_ach = slots_w // ACH_S
    wid = lax.axis_index("s") * NC + lax.axis_index("c")
    base = phase * slots_w * NW + wid * slots_w
    sbase = phase * self_w * NW + wid * self_w
    obase = wid * slots_w
    osbase = wid * self_w
    bufns = (bufn0, bufn1)
    bufrs = (bufr0, bufr1)
    abufs = ((abuf0, abuf1),)
    sbufs = ((sbuf0, sbuf1),)
    asems = (asem,)
    awsems = (awsem,)

    pltpu.sync_copy(neigh_hbm.at[pl.ds(base, slots_w)], idx_n)
    pltpu.sync_copy(rel_hbm.at[pl.ds(base, slots_w)], idx_r)
    pltpu.sync_copy(attr_hbm.at[pl.ds(base * A, slots_w * A)], idx_a)
    pltpu.sync_copy(node_hbm.at[pl.ds(sbase, self_w)], idx_s)

    self_cp = pltpu.async_copy(u2e_hbm.at[idx_s], sebuf, ssem)

    def fire_nr(c, b):
        pltpu.async_copy(v2e_hbm.at[idx_n.at[pl.ds(c * CH, CH)]],
                         bufns[b], gsem)
        pltpu.async_copy(r2e_hbm.at[idx_r.at[pl.ds(c * CH, CH)]],
                         bufrs[b], gsem)

    def wait_nr(c, b):
        pltpu.make_async_copy(v2e_hbm.at[idx_n.at[pl.ds(c * CH, CH)]],
                              bufns[b], gsem).wait()
        pltpu.make_async_copy(r2e_hbm.at[idx_r.at[pl.ds(c * CH, CH)]],
                              bufrs[b], gsem).wait()

    def drain_nr_wb(b):
        pltpu.make_async_copy(bufns[b], n_out.at[pl.ds(0, CH)], wsem).wait()
        pltpu.make_async_copy(bufrs[b], r_out.at[pl.ds(0, CH)], wsem).wait()

    def fire_a(c, b):
        pltpu.async_copy(va2e_hbm.at[idx_a.at[pl.ds(c * ACH_R, ACH_R)]],
                         abufs[0][b], asems[0])

    def wait_a(c, b):
        pltpu.make_async_copy(va2e_hbm.at[idx_a.at[pl.ds(c * ACH_R, ACH_R)]],
                              abufs[0][b], asems[0]).wait()

    def drain_a_wb(b):
        pltpu.make_async_copy(sbufs[0][b], a_out.at[pl.ds(0, ACH_S)],
                              awsems[0]).wait()

    fire_a(0, 0)
    fire_nr(0, 0)

    def body(c2, carry):
        for b in range(2):
            c = c2 * 2 + b
            @pl.when(c < n_ch)
            def _():
                if b == 0:
                    @pl.when(c2 > 0)
                    def _():
                        drain_nr_wb(1)
                    fire_nr(c + 1, 1)
                else:
                    drain_nr_wb(0)

                    @pl.when(c + 1 < n_ch)
                    def _():
                        fire_nr(c + 1, 0)
                wait_nr(c, b)
                rb = obase + c * CH
                pltpu.async_copy(bufns[b], n_out.at[pl.ds(rb, CH)], wsem)
                pltpu.async_copy(bufrs[b], r_out.at[pl.ds(rb, CH)], wsem)

            if b == 0:
                fire_a(c + 1, 1)
            else:
                @pl.when(c2 < n_ach // 2 - 1)
                def _():
                    fire_a(c + 1, 0)
            @pl.when(c2 > 0)
            def _():
                drain_a_wb(b)
            wait_a(c, b)
            abuf = abufs[0][b]
            sbuf = sbufs[0][b]

            def sum_body(sl, carry2):
                for col in range(D // 16):
                    acc = abuf[sl * A, pl.ds(col * 16, 16)]
                    for a in range(1, A):
                        acc = acc + abuf[sl * A + a, pl.ds(col * 16, 16)]
                    sbuf[sl, pl.ds(col * 16, 16)] = acc
                return carry2

            lax.fori_loop(0, ACH_S, sum_body, 0)
            sb = obase + c * ACH_S
            pltpu.async_copy(sbuf, a_out.at[pl.ds(sb, ACH_S)], awsems[0])
        return carry

    lax.fori_loop(0, n_ach // 2, body, 0)
    drain_nr_wb(1)
    drain_a_wb(0)
    drain_a_wb(1)

    self_cp.wait()
    pltpu.sync_copy(sebuf, s_out.at[pl.ds(osbase, self_w)])


@functools.lru_cache(maxsize=8)
def _sc_gather_kernel(nb, phase):
    slots_w = nb * K // NW
    self_w = nb // NW
    body = functools.partial(_sc_gather_body, slots_w=slots_w, self_w=self_w,
                             phase=phase)
    return functools.partial(
        pl.kernel,
        mesh=plsc.VectorSubcoreMesh(core_axis_name="c", subcore_axis_name="s"),
        out_type=(
            jax.ShapeDtypeStruct((nb * K, D), jnp.float32),
            jax.ShapeDtypeStruct((nb * K, D), jnp.float32),
            jax.ShapeDtypeStruct((nb * K, D), jnp.float32),
            jax.ShapeDtypeStruct((nb, D), jnp.float32),
        ),
        scratch_types=(
            pltpu.VMEM((slots_w,), jnp.int32),
            pltpu.VMEM((slots_w,), jnp.int32),
            pltpu.VMEM((slots_w * A,), jnp.int32),
            pltpu.VMEM((self_w,), jnp.int32),
            pltpu.VMEM((CH, D), jnp.float32),
            pltpu.VMEM((CH, D), jnp.float32),
            pltpu.VMEM((CH, D), jnp.float32),
            pltpu.VMEM((CH, D), jnp.float32),
            pltpu.VMEM((ACH_R, D), jnp.float32),
            pltpu.VMEM((ACH_R, D), jnp.float32),
            pltpu.VMEM((ACH_S, D), jnp.float32),
            pltpu.VMEM((ACH_S, D), jnp.float32),
            pltpu.VMEM((self_w, D), jnp.float32),
            pltpu.SemaphoreType.DMA,
            pltpu.SemaphoreType.DMA,
            pltpu.SemaphoreType.DMA,
            pltpu.SemaphoreType.DMA,
            pltpu.SemaphoreType.DMA,
        ),
    )(body)


BB = 128


def _tc_body(n_ref, r_ref, a_ref, s_ref,
             w1_ref, b1_ref, w2_ref, b2_ref,
             a1_ref, ab1_ref, a2_ref, ab2_ref, a3_ref,
             out_ref):
    f32 = jnp.float32
    n = n_ref[...]
    r = r_ref[...]
    a = a_ref[...]
    h = jnp.dot(n, w1_ref[0:D, :], preferred_element_type=f32)
    h = h + jnp.dot(r, w1_ref[D:2 * D, :], preferred_element_type=f32)
    h = h + jnp.dot(a, w1_ref[2 * D:3 * D, :], preferred_element_type=f32)
    h = jnp.maximum(h + b1_ref[...][None, :], 0.0)
    o = jnp.maximum(
        jnp.dot(h, w2_ref[...], preferred_element_type=f32)
        + b2_ref[...][None, :], 0.0)
    su = (jnp.dot(s_ref[...], a1_ref[D:2 * D, :], preferred_element_type=f32)
          + ab1_ref[...][None, :])
    t = jnp.dot(o, a1_ref[0:D, :], preferred_element_type=f32)
    t = jnp.maximum(t.reshape(BB, K, D) + su[:, None, :], 0.0).reshape(BB * K, D)
    t = jnp.maximum(
        jnp.dot(t, a2_ref[...], preferred_element_type=f32)
        + ab2_ref[...][None, :], 0.0)
    a3t = jnp.broadcast_to(a3_ref[...], (D, D))
    l3 = jnp.dot(t, a3t, preferred_element_type=f32).reshape(BB, K, D)
    m = jnp.max(l3, axis=1, keepdims=True)
    e = jnp.exp(l3 - m)
    att3 = e / jnp.sum(e, axis=1, keepdims=True)
    out_ref[...] = jnp.sum(o.reshape(BB, K, D) * att3, axis=1)


def _tc_call(n_es, r_es, a_es, s_e, weights):
    nb = s_e.shape[0]
    row_spec = pl.BlockSpec((BB * K, D), lambda i: (i, 0))
    self_spec = pl.BlockSpec((BB, D), lambda i: (i, 0))

    def w_spec(x):
        return pl.BlockSpec(x.shape, lambda i: tuple(0 for _ in x.shape))

    return pl.pallas_call(
        _tc_body,
        grid=(nb // BB,),
        in_specs=[row_spec, row_spec, row_spec, self_spec]
                 + [w_spec(w) for w in weights],
        out_specs=pl.BlockSpec((BB, D), lambda i: (i, 0)),
        out_shape=jax.ShapeDtypeStruct((nb, D), jnp.float32),
    )(n_es, r_es, a_es, s_e, *weights)


def kernel(nodes, nodes_l1paths, nodes_l1n_attrs, u2e, v2e, r2e, ua2e, va2e,
           w1_w, w1_b, w2_w, w2_b, a1_w, a1_b, a2_w, a2_b, a3_w, a3_b):
    neighs = nodes_l1paths[:, :, 1].reshape(BK)
    rels = nodes_l1paths[:, :, 0].reshape(BK)
    attrs = nodes_l1n_attrs.reshape(BK * A)
    weights = (w1_w, w1_b, w2_w, w2_b, a1_w, a1_b, a2_w, a2_b, a3_w)
    sc = _sc_gather_kernel(BH, 0)
    gathered = []
    for p in range(NSPLIT):
        r0 = p * BH * K
        gathered.append(sc(
            lax.dynamic_slice_in_dim(neighs, r0, BH * K),
            lax.dynamic_slice_in_dim(rels, r0, BH * K),
            lax.dynamic_slice_in_dim(attrs, r0 * A, BH * K * A),
            lax.dynamic_slice_in_dim(nodes, p * BH, BH),
            v2e, r2e, va2e, u2e))
    outs = [_tc_call(n_es, r_es, a_es, s_e, weights)
            for (n_es, r_es, a_es, s_e) in gathered]
    return jnp.concatenate(outs, axis=0)

# --- scband reference (transcript-rebuilt; emitter-appended) ---
"""Pipeline reference for scband-l1neighs-aggregator-20375324852400 (READ-ONLY COPY).

The authoritative reference and input builder live on the scoring server;
editing this copy changes nothing except your own understanding.
"""

import jax, jax.numpy as jnp
import numpy as np

B, K, A = 1024, 32, 8
V = 100000
D = 128

def setup_inputs(seed: int = 0) -> dict:
    key = jax.random.key(seed)
    ks = jax.random.split(key, 18)
    inp = {}
    inp['nodes'] = jax.random.randint(ks[0], (B,), 0, V, dtype=jnp.int32)
    inp['nodes_l1paths'] = jax.random.randint(ks[1], (B, K, 2), 0, V, dtype=jnp.int32)
    inp['nodes_l1n_attrs'] = jax.random.randint(ks[2], (B, K, A), 0, V, dtype=jnp.int32)
    inp['u2e'] = jax.random.normal(ks[3], (V, D), jnp.float32)
    inp['v2e'] = jax.random.normal(ks[4], (V, D), jnp.float32)
    inp['r2e'] = jax.random.normal(ks[5], (V, D), jnp.float32)
    inp['ua2e'] = jax.random.normal(ks[6], (V, D), jnp.float32)
    inp['va2e'] = jax.random.normal(ks[7], (V, D), jnp.float32)
    s1 = 1.0 / np.sqrt(3 * D)
    inp['w1_w'] = jax.random.uniform(ks[8], (3 * D, D), jnp.float32, -s1, s1)
    inp['w1_b'] = jax.random.uniform(ks[9], (D,), jnp.float32, -s1, s1)
    s2 = 1.0 / np.sqrt(D)
    inp['w2_w'] = jax.random.uniform(ks[10], (D, D), jnp.float32, -s2, s2)
    inp['w2_b'] = jax.random.uniform(ks[11], (D,), jnp.float32, -s2, s2)
    sa1 = 1.0 / np.sqrt(2 * D)
    inp['a1_w'] = jax.random.uniform(ks[12], (2 * D, D), jnp.float32, -sa1, sa1)
    inp['a1_b'] = jax.random.uniform(ks[13], (D,), jnp.float32, -sa1, sa1)
    inp['a2_w'] = jax.random.uniform(ks[14], (D, D), jnp.float32, -s2, s2)
    inp['a2_b'] = jax.random.uniform(ks[15], (D,), jnp.float32, -s2, s2)
    inp['a3_w'] = jax.random.uniform(ks[16], (D, 1), jnp.float32, -s2, s2)
    inp['a3_b'] = jax.random.uniform(ks[17], (1,), jnp.float32, -s2, s2)
    return inp

def reference(nodes, nodes_l1paths, nodes_l1n_attrs, u2e, v2e, r2e, ua2e, va2e,
              w1_w, w1_b, w2_w, w2_b, a1_w, a1_b, a2_w, a2_b, a3_w, a3_b):
    # uv=True branch of L1neighs_Aggregator, vectorized over the batch of nodes
    neighs = nodes_l1paths[:, :, 1]          # [B, K]
    rels = nodes_l1paths[:, :, 0]            # [B, K]
    neighs_es = jnp.take(v2e, neighs, axis=0)        # [B, K, D]
    r_es = jnp.take(r2e, rels, axis=0)                # [B, K, D]
    # uvAttrEmbedding with uv=False: sum of va2e rows over each neighbor's attrs
    attr_es = jnp.sum(jnp.take(va2e, nodes_l1n_attrs, axis=0), axis=2)  # [B, K, D]
    self_e = jnp.take(u2e, nodes, axis=0)             # [B, D]
    x = jnp.concatenate([neighs_es, r_es, attr_es], axis=-1)  # [B, K, 3D]
    x = jax.nn.relu(x @ w1_w + w1_b)
    o = jax.nn.relu(x @ w2_w + w2_b)                  # [B, K, D]
    # Attention(o_neighs_es, self_e, num_neighbors)
    u_rep = jnp.broadcast_to(self_e[:, None, :], o.shape)
    a = jnp.concatenate([o, u_rep], axis=-1)          # [B, K, 2D]
    a = jax.nn.relu(a @ a1_w + a1_b)
    a = jax.nn.relu(a @ a2_w + a2_b)
    a = a @ a3_w + a3_b                               # [B, K, 1]
    att = jax.nn.softmax(a, axis=1)                   # softmax over neighbors
    out = jnp.einsum('bkd,bk->bd', o, att[:, :, 0])   # o.T @ att, transposed
    return out

if False:  # reference __main__ guard neutralized (emitter)
    out = reference(**setup_inputs())
    print(out.shape, out.dtype)

if __name__ == "__main__":
    import jax
    _d = setup_inputs()
    print(jax.jit(kernel)(*tuple(_d.values())))

</pallas_src>

<mosaic_0001>
#map = affine_map<(d0, d1) -> (0)>
#map1 = affine_map<(d0, d1) -> (0, 0)>
module attributes {stable_mosaic.version = 14 : i64} {
  func.func @_sc_gather_body(%arg0: i32, %arg1: i32, %arg2: memref<32768xi32, #tpu.memory_space<hbm>>, %arg3: memref<32768xi32, #tpu.memory_space<hbm>>, %arg4: memref<262144xi32, #tpu.memory_space<hbm>>, %arg5: memref<1024xi32, #tpu.memory_space<hbm>>, %arg6: memref<100000x128xf32, #tpu.memory_space<hbm>>, %arg7: memref<100000x128xf32, #tpu.memory_space<hbm>>, %arg8: memref<100000x128xf32, #tpu.memory_space<hbm>>, %arg9: memref<100000x128xf32, #tpu.memory_space<hbm>>, %arg10: memref<32768x128xf32, #tpu.memory_space<hbm>>, %arg11: memref<32768x128xf32, #tpu.memory_space<hbm>>, %arg12: memref<32768x128xf32, #tpu.memory_space<hbm>>, %arg13: memref<1024x128xf32, #tpu.memory_space<hbm>>, %arg14: memref<1024xi32, #tpu.memory_space<vmem>>, %arg15: memref<1024xi32, #tpu.memory_space<vmem>>, %arg16: memref<8192xi32, #tpu.memory_space<vmem>>, %arg17: memref<32xi32, #tpu.memory_space<vmem>>, %arg18: memref<64x128xf32, #tpu.memory_space<vmem>>, %arg19: memref<64x128xf32, #tpu.memory_space<vmem>>, %arg20: memref<64x128xf32, #tpu.memory_space<vmem>>, %arg21: memref<64x128xf32, #tpu.memory_space<vmem>>, %arg22: memref<256x128xf32, #tpu.memory_space<vmem>>, %arg23: memref<256x128xf32, #tpu.memory_space<vmem>>, %arg24: memref<32x128xf32, #tpu.memory_space<vmem>>, %arg25: memref<32x128xf32, #tpu.memory_space<vmem>>, %arg26: memref<32x128xf32, #tpu.memory_space<vmem>>, %arg27: memref<!tpu.dma_semaphore, #tpu.memory_space<semaphore_mem>>, %arg28: memref<!tpu.dma_semaphore, #tpu.memory_space<semaphore_mem>>, %arg29: memref<!tpu.dma_semaphore, #tpu.memory_space<semaphore_mem>>, %arg30: memref<!tpu.dma_semaphore, #tpu.memory_space<semaphore_mem>>, %arg31: memref<!tpu.dma_semaphore, #tpu.memory_space<semaphore_mem>>) attributes {dimension_semantics = [#tpu.dimension_semantics<core_parallel>, #tpu.dimension_semantics<subcore_parallel>], iteration_bounds = array<i64: 2, 16>, scalar_prefetch = 0 : i64, scratch_operands = 18 : i64, tpu.core_type = #tpu.core_type<sc_vector_subcore>, window_params = [{transform_indices = #map}, {transform_indices = #map}, {transform_indices = #map}, {transform_indices = #map}, {transform_indices = #map1}, {transform_indices = #map1}, {transform_indices = #map1}, {transform_indices = #map1}, {transform_indices = #map1}, {transform_indices = #map1}, {transform_indices = #map1}, {transform_indices = #map1}]} {
    %mul3A = arith.constant 2 : i32
    %mul3A_0 = arith.muli %arg1, %mul3A : i32
    %add3A = arith.addi %mul3A_0, %arg0 : i32
    %mul3A_1 = arith.constant 1024 : i32
    %mul3A_2 = arith.muli %add3A, %mul3A_1 : i32
    %add3A_3 = arith.constant 0 : i32
    %add3A_4 = arith.addi %add3A_3, %mul3A_2 : i32
    %mul3A_5 = arith.constant 32 : i32
    %mul3A_6 = arith.muli %add3A, %mul3A_5 : i32
    %add3A_7 = arith.constant 0 : i32
    %add3A_8 = arith.addi %add3A_7, %mul3A_6 : i32
    %mul3A_9 = arith.constant 1024 : i32
    %mul3A_10 = arith.muli %add3A, %mul3A_9 : i32
    %mul3A_11 = arith.constant 32 : i32
    %mul3A_12 = arith.muli %add3A, %mul3A_11 : i32
    "tpu.region"() ({
      %run_scoped3A = tpu.sem_alloc : memref<!tpu.dma_semaphore, #tpu.memory_space<semaphore_mem>>
      %dma_start3A_63 = tpu.memref_slice %arg2[%add3A_4] : memref<32768xi32, #tpu.memory_space<hbm>> -> memref<1024xi32, #tpu.memory_space<hbm>>
      %dma_start3A_64 = tpu.memref_slice %arg2[%add3A_4] : memref<32768xi32, #tpu.memory_space<hbm>> -> memref<1024xi32, #tpu.memory_space<hbm>>
      tpu.enqueue_dma source(%dma_start3A_64 : memref<1024xi32, #tpu.memory_space<hbm>>) target(%arg14 : memref<1024xi32, #tpu.memory_space<vmem>>) target_semaphore(%run_scoped3A : memref<!tpu.dma_semaphore, #tpu.memory_space<semaphore_mem>>)
      %dma_wait3A_65 = tpu.memref_slice %arg2[%add3A_4] : memref<32768xi32, #tpu.memory_space<hbm>> -> memref<1024xi32, #tpu.memory_space<hbm>>
      %dma_wait3A_66 = tpu.memref_slice %arg2[%add3A_4] : memref<32768xi32, #tpu.memory_space<hbm>> -> memref<1024xi32, #tpu.memory_space<hbm>>
      tpu.wait_dma2 semaphore(%run_scoped3A : memref<!tpu.dma_semaphore, #tpu.memory_space<semaphore_mem>>) src(%dma_wait3A_66 : memref<1024xi32, #tpu.memory_space<hbm>>) dst(%arg14 : memref<1024xi32, #tpu.memory_space<vmem>>)
      tpu.yield
    }) : () -> ()
    "tpu.region"() ({
      %run_scoped3A = tpu.sem_alloc : memref<!tpu.dma_semaphore, #tpu.memory_space<semaphore_mem>>
      %dma_start3A_63 = tpu.memref_slice %arg3[%add3A_4] : memref<32768xi32, #tpu.memory_space<hbm>> -> memref<1024xi32, #tpu.memory_space<hbm>>
      %dma_start3A_64 = tpu.memref_slice %arg3[%add3A_4] : memref<32768xi32, #tpu.memory_space<hbm>> -> memref<1024xi32, #tpu.memory_space<hbm>>
      tpu.enqueue_dma source(%dma_start3A_64 : memref<1024xi32, #tpu.memory_space<hbm>>) target(%arg15 : memref<1024xi32, #tpu.memory_space<vmem>>) target_semaphore(%run_scoped3A : memref<!tpu.dma_semaphore, #tpu.memory_space<semaphore_mem>>)
      %dma_wait3A_65 = tpu.memref_slice %arg3[%add3A_4] : memref<32768xi32, #tpu.memory_space<hbm>> -> memref<1024xi32, #tpu.memory_space<hbm>>
      %dma_wait3A_66 = tpu.memref_slice %arg3[%add3A_4] : memref<32768xi32, #tpu.memory_space<hbm>> -> memref<1024xi32, #tpu.memory_space<hbm>>
      tpu.wait_dma2 semaphore(%run_scoped3A : memref<!tpu.dma_semaphore, #tpu.memory_space<semaphore_mem>>) src(%dma_wait3A_66 : memref<1024xi32, #tpu.memory_space<hbm>>) dst(%arg15 : memref<1024xi32, #tpu.memory_space<vmem>>)
      tpu.yield
    }) : () -> ()
    %mul3A_13 = arith.constant 8 : i32
    %mul3A_14 = arith.muli %add3A_4, %mul3A_13 : i32
    "tpu.region"() ({
      %run_scoped3A = tpu.sem_alloc : memref<!tpu.dma_semaphore, #tpu.memory_space<semaphore_mem>>
      %dma_start3A_63 = tpu.memref_slice %arg4[%mul3A_14] : memref<262144xi32, #tpu.memory_space<hbm>> -> memref<8192xi32, #tpu.memory_space<hbm>>
      %dma_start3A_64 = tpu.memref_slice %arg4[%mul3A_14] : memref<262144xi32, #tpu.memory_space<hbm>> -> memref<8192xi32, #tpu.memory_space<hbm>>
      tpu.enqueue_dma source(%dma_start3A_64 : memref<8192xi32, #tpu.memory_space<hbm>>) target(%arg16 : memref<8192xi32, #tpu.memory_space<vmem>>) target_semaphore(%run_scoped3A : memref<!tpu.dma_semaphore, #tpu.memory_space<semaphore_mem>>)
      %dma_wait3A_65 = tpu.memref_slice %arg4[%mul3A_14] : memref<262144xi32, #tpu.memory_space<hbm>> -> memref<8192xi32, #tpu.memory_space<hbm>>
      %dma_wait3A_66 = tpu.memref_slice %arg4[%mul3A_14] : memref<262144xi32, #tpu.memory_space<hbm>> -> memref<8192xi32, #tpu.memory_space<hbm>>
      tpu.wait_dma2 semaphore(%run_scoped3A : memref<!tpu.dma_semaphore, #tpu.memory_space<semaphore_mem>>) src(%dma_wait3A_66 : memref<8192xi32, #tpu.memory_space<hbm>>) dst(%arg16 : memref<8192xi32, #tpu.memory_space<vmem>>)
      tpu.yield
    }) : () -> ()
    "tpu.region"() ({
      %run_scoped3A = tpu.sem_alloc : memref<!tpu.dma_semaphore, #tpu.memory_space<semaphore_mem>>
      %dma_start3A_63 = tpu.memref_slice %arg5[%add3A_8] : memref<1024xi32, #tpu.memory_space<hbm>> -> memref<32xi32, #tpu.memory_space<hbm>>
      %dma_start3A_64 = tpu.memref_slice %arg5[%add3A_8] : memref<1024xi32, #tpu.memory_space<hbm>> -> memref<32xi32, #tpu.memory_space<hbm>>
      tpu.enqueue_dma source(%dma_start3A_64 : memref<32xi32, #tpu.memory_space<hbm>>) target(%arg17 : memref<32xi32, #tpu.memory_space<vmem>>) target_semaphore(%run_scoped3A : memref<!tpu.dma_semaphore, #tpu.memory_space<semaphore_mem>>)
      %dma_wait3A_65 = tpu.memref_slice %arg5[%add3A_8] : memref<1024xi32, #tpu.memory_space<hbm>> -> memref<32xi32, #tpu.memory_space<hbm>>
      %dma_wait3A_66 = tpu.memref_slice %arg5[%add3A_8] : memref<1024xi32, #tpu.memory_space<hbm>> -> memref<32xi32, #tpu.memory_space<hbm>>
      tpu.wait_dma2 semaphore(%run_scoped3A : memref<!tpu.dma_semaphore, #tpu.memory_space<semaphore_mem>>) src(%dma_wait3A_66 : memref<32xi32, #tpu.memory_space<hbm>>) dst(%arg17 : memref<32xi32, #tpu.memory_space<vmem>>)
      tpu.yield
    }) : () -> ()
    %dma_start3A = arith.constant 0 : i32
    %dma_start3A_15 = arith.constant 0 : i32
    %dma_start3A_16 = tpu.memref_slice %arg9[%dma_start3A, %dma_start3A_15] : memref<100000x128xf32, #tpu.memory_space<hbm>> -> memref<100000x128xf32, #tpu.memory_space<hbm>>
    tpu.enqueue_indirect_dma source(%dma_start3A_16 : memref<100000x128xf32, #tpu.memory_space<hbm>>) target(%arg26 : memref<32x128xf32, #tpu.memory_space<vmem>>) offsets(%arg17 : memref<32xi32, #tpu.memory_space<vmem>>) semaphore(%arg31 : memref<!tpu.dma_semaphore, #tpu.memory_space<semaphore_mem>>)
    %dma_start3A_17 = arith.constant 0 : i32
    %dma_start3A_18 = tpu.memref_slice %arg16[%dma_start3A_17] : memref<8192xi32, #tpu.memory_space<vmem>> -> memref<256xi32, #tpu.memory_space<vmem>>
    %dma_start3A_19 = arith.constant 0 : i32
    %dma_start3A_20 = arith.constant 0 : i32
    %dma_start3A_21 = tpu.memref_slice %arg8[%dma_start3A_19, %dma_start3A_20] : memref<100000x128xf32, #tpu.memory_space<hbm>> -> memref<100000x128xf32, #tpu.memory_space<hbm>>
    tpu.enqueue_indirect_dma source(%dma_start3A_21 : memref<100000x128xf32, #tpu.memory_space<hbm>>) target(%arg22 : memref<256x128xf32, #tpu.memory_space<vmem>>) offsets(%dma_start3A_18 : memref<256xi32, #tpu.memory_space<vmem>>) semaphore(%arg29 : memref<!tpu.dma_semaphore, #tpu.memory_space<semaphore_mem>>)
    %dma_start3A_22 = arith.constant 0 : i32
    %dma_start3A_23 = tpu.memref_slice %arg14[%dma_start3A_22] : memref<1024xi32, #tpu.memory_space<vmem>> -> memref<64xi32, #tpu.memory_space<vmem>>
    %dma_start3A_24 = arith.constant 0 : i32
    %dma_start3A_25 = arith.constant 0 : i32
    %dma_start3A_26 = tpu.memref_slice %arg6[%dma_start3A_24, %dma_start3A_25] : memref<100000x128xf32, #tpu.memory_space<hbm>> -> memref<100000x128xf32, #tpu.memory_space<hbm>>
    tpu.enqueue_indirect_dma source(%dma_start3A_26 : memref<100000x128xf32, #tpu.memory_space<hbm>>) target(%arg18 : memref<64x128xf32, #tpu.memory_space<vmem>>) offsets(%dma_start3A_23 : memref<64xi32, #tpu.memory_space<vmem>>) semaphore(%arg27 : memref<!tpu.dma_semaphore, #tpu.memory_space<semaphore_mem>>)
    %dma_start3A_27 = arith.constant 0 : i32
    %dma_start3A_28 = tpu.memref_slice %arg15[%dma_start3A_27] : memref<1024xi32, #tpu.memory_space<vmem>> -> memref<64xi32, #tpu.memory_space<vmem>>
    %dma_start3A_29 = arith.constant 0 : i32
    %dma_start3A_30 = arith.constant 0 : i32
    %dma_start3A_31 = tpu.memref_slice %arg7[%dma_start3A_29, %dma_start3A_30] : memref<100000x128xf32, #tpu.memory_space<hbm>> -> memref<100000x128xf32, #tpu.memory_space<hbm>>
    tpu.enqueue_indirect_dma source(%dma_start3A_31 : memref<100000x128xf32, #tpu.memory_space<hbm>>) target(%arg20 : memref<64x128xf32, #tpu.memory_space<vmem>>) offsets(%dma_start3A_28 : memref<64xi32, #tpu.memory_space<vmem>>) semaphore(%arg27 : memref<!tpu.dma_semaphore, #tpu.memory_space<semaphore_mem>>)
    %scan3A = arith.constant 0 : i32
    %scan3A_32 = arith.constant 0 : i32
    %scan3A_33 = arith.constant 16 : i32
    %scan3A_34 = arith.addi %scan3A_32, %scan3A_33 : i32
    %scan3A_35 = arith.constant 1 : i32
    scf.for %scan3A_63 = %scan3A_32 to %scan3A_34 step %scan3A_35  : i32 {
      %mul3A_64 = arith.constant 2 : i32
      %mul3A_65 = arith.muli %scan3A_63, %mul3A_64 : i32
      %add3A_66 = arith.constant 0 : i32
      %add3A_67 = arith.addi %mul3A_65, %add3A_66 : i32
      %lt3A = arith.constant 16 : i32
      %lt3A_68 = arith.cmpi slt, %add3A_67, %lt3A : i32
      %convert_element_type3A = arith.extui %lt3A_68 : i1 to i32
      %cond3A = arith.constant 0 : i32
      %cond3A_69 = arith.cmpi ne, %convert_element_type3A, %cond3A : i32
      scf.if %cond3A_69 {
        %gt3A_139 = arith.constant 0 : i32
        %gt3A_140 = arith.cmpi sgt, %scan3A_63, %gt3A_139 : i32
        %convert_element_type3A_141 = arith.extui %gt3A_140 : i1 to i32
        %cond3A_142 = arith.constant 0 : i32
        %cond3A_143 = arith.cmpi ne, %convert_element_type3A_141, %cond3A_142 : i32
        scf.if %cond3A_143 {
          %dma_wait3A_181 = arith.constant 0 : i32
          %dma_wait3A_182 = arith.constant 0 : i32
          %dma_wait3A_183 = tpu.memref_slice %arg10[%dma_wait3A_181, %dma_wait3A_182] : memref<32768x128xf32, #tpu.memory_space<hbm>> -> memref<64x128xf32, #tpu.memory_space<hbm>>
          %dma_wait3A_184 = arith.constant 0 : i32
          %dma_wait3A_185 = arith.constant 0 : i32
          %dma_wait3A_186 = tpu.memref_slice %arg10[%dma_wait3A_184, %dma_wait3A_185] : memref<32768x128xf32, #tpu.memory_space<hbm>> -> memref<64x128xf32, #tpu.memory_space<hbm>>
          tpu.wait_dma2 semaphore(%arg28 : memref<!tpu.dma_semaphore, #tpu.memory_space<semaphore_mem>>) src(%arg19 : memref<64x128xf32, #tpu.memory_space<vmem>>) dst(%dma_wait3A_186 : memref<64x128xf32, #tpu.memory_space<hbm>>)
          %dma_wait3A_187 = arith.constant 0 : i32
          %dma_wait3A_188 = arith.constant 0 : i32
          %dma_wait3A_189 = tpu.memref_slice %arg11[%dma_wait3A_187, %dma_wait3A_188] : memref<32768x128xf32, #tpu.memory_space<hbm>> -> memref<64x128xf32, #tpu.memory_space<hbm>>
          %dma_wait3A_190 = arith.constant 0 : i32
          %dma_wait3A_191 = arith.constant 0 : i32
          %dma_wait3A_192 = tpu.memref_slice %arg11[%dma_wait3A_190, %dma_wait3A_191] : memref<32768x128xf32, #tpu.memory_space<hbm>> -> memref<64x128xf32, #tpu.memory_space<hbm>>
          tpu.wait_dma2 semaphore(%arg28 : memref<!tpu.dma_semaphore, #tpu.memory_space<semaphore_mem>>) src(%arg21 : memref<64x128xf32, #tpu.memory_space<vmem>>) dst(%dma_wait3A_192 : memref<64x128xf32, #tpu.memory_space<hbm>>)
        } else {
        }
        %add3A_144 = arith.constant 1 : i32
        %add3A_145 = arith.addi %add3A_67, %add3A_144 : i32
        %mul3A_146 = arith.constant 64 : i32
        %mul3A_147 = arith.muli %add3A_145, %mul3A_146 : i32
        %dma_start3A_148 = tpu.memref_slice %arg14[%mul3A_147] : memref<1024xi32, #tpu.memory_space<vmem>> -> memref<64xi32, #tpu.memory_space<vmem>>
        %dma_start3A_149 = arith.constant 0 : i32
        %dma_start3A_150 = arith.constant 0 : i32
        %dma_start3A_151 = tpu.memref_slice %arg6[%dma_start3A_149, %dma_start3A_150] : memref<100000x128xf32, #tpu.memory_space<hbm>> -> memref<100000x128xf32, #tpu.memory_space<hbm>>
        tpu.enqueue_indirect_dma source(%dma_start3A_151 : memref<100000x128xf32, #tpu.memory_space<hbm>>) target(%arg19 : memref<64x128xf32, #tpu.memory_space<vmem>>) offsets(%dma_start3A_148 : memref<64xi32, #tpu.memory_space<vmem>>) semaphore(%arg27 : memref<!tpu.dma_semaphore, #tpu.memory_space<semaphore_mem>>)
        %mul3A_152 = arith.constant 64 : i32
        %mul3A_153 = arith.muli %add3A_145, %mul3A_152 : i32
        %dma_start3A_154 = tpu.memref_slice %arg15[%mul3A_153] : memref<1024xi32, #tpu.memory_space<vmem>> -> memref<64xi32, #tpu.memory_space<vmem>>
        %dma_start3A_155 = arith.constant 0 : i32
        %dma_start3A_156 = arith.constant 0 : i32
        %dma_start3A_157 = tpu.memref_slice %arg7[%dma_start3A_155, %dma_start3A_156] : memref<100000x128xf32, #tpu.memory_space<hbm>> -> memref<100000x128xf32, #tpu.memory_space<hbm>>
        tpu.enqueue_indirect_dma source(%dma_start3A_157 : memref<100000x128xf32, #tpu.memory_space<hbm>>) target(%arg21 : memref<64x128xf32, #tpu.memory_space<vmem>>) offsets(%dma_start3A_154 : memref<64xi32, #tpu.memory_space<vmem>>) semaphore(%arg27 : memref<!tpu.dma_semaphore, #tpu.memory_space<semaphore_mem>>)
        %mul3A_158 = arith.constant 64 : i32
        %mul3A_159 = arith.muli %add3A_67, %mul3A_158 : i32
        %dma_wait3A_160 = tpu.memref_slice %arg14[%mul3A_159] : memref<1024xi32, #tpu.memory_space<vmem>> -> memref<64xi32, #tpu.memory_space<vmem>>
        %dma_wait3A_161 = arith.constant 0 : i32
        %dma_wait3A_162 = arith.constant 0 : i32
        %dma_wait3A_163 = tpu.memref_slice %arg6[%dma_wait3A_161, %dma_wait3A_162] : memref<100000x128xf32, #tpu.memory_space<hbm>> -> memref<100000x128xf32, #tpu.memory_space<hbm>>
        tpu.wait_indirect_dma semaphore(%arg27 : memref<!tpu.dma_semaphore, #tpu.memory_space<semaphore_mem>>) src(%dma_wait3A_163 : memref<100000x128xf32, #tpu.memory_space<hbm>>) dst(%arg18 : memref<64x128xf32, #tpu.memory_space<vmem>>)
        %mul3A_164 = arith.constant 64 : i32
        %mul3A_165 = arith.muli %add3A_67, %mul3A_164 : i32
        %dma_wait3A_166 = tpu.memref_slice %arg15[%mul3A_165] : memref<1024xi32, #tpu.memory_space<vmem>> -> memref<64xi32, #tpu.memory_space<vmem>>
        %dma_wait3A_167 = arith.constant 0 : i32
        %dma_wait3A_168 = arith.constant 0 : i32
        %dma_wait3A_169 = tpu.memref_slice %arg7[%dma_wait3A_167, %dma_wait3A_168] : memref<100000x128xf32, #tpu.memory_space<hbm>> -> memref<100000x128xf32, #tpu.memory_space<hbm>>
        tpu.wait_indirect_dma semaphore(%arg27 : memref<!tpu.dma_semaphore, #tpu.memory_space<semaphore_mem>>) src(%dma_wait3A_169 : memref<100000x128xf32, #tpu.memory_space<hbm>>) dst(%arg20 : memref<64x128xf32, #tpu.memory_space<vmem>>)
        %mul3A_170 = arith.constant 64 : i32
        %mul3A_171 = arith.muli %add3A_67, %mul3A_170 : i32
        %add3A_172 = arith.addi %mul3A_10, %mul3A_171 : i32
        %dma_start3A_173 = arith.constant 0 : i32
        %dma_start3A_174 = tpu.memref_slice %arg10[%add3A_172, %dma_start3A_173] : memref<32768x128xf32, #tpu.memory_space<hbm>> -> memref<64x128xf32, #tpu.memory_space<hbm>>
        %dma_start3A_175 = arith.constant 0 : i32
        %dma_start3A_176 = tpu.memref_slice %arg10[%add3A_172, %dma_start3A_175] : memref<32768x128xf32, #tpu.memory_space<hbm>> -> memref<64x128xf32, #tpu.memory_space<hbm>>
        tpu.enqueue_dma source(%arg18 : memref<64x128xf32, #tpu.memory_space<vmem>>) target(%dma_start3A_176 : memref<64x128xf32, #tpu.memory_space<hbm>>) target_semaphore(%arg28 : memref<!tpu.dma_semaphore, #tpu.memory_space<semaphore_mem>>)
        %dma_start3A_177 = arith.constant 0 : i32
        %dma_start3A_178 = tpu.memref_slice %arg11[%add3A_172, %dma_start3A_177] : memref<32768x128xf32, #tpu.memory_space<hbm>> -> memref<64x128xf32, #tpu.memory_space<hbm>>
        %dma_start3A_179 = arith.constant 0 : i32
        %dma_start3A_180 = tpu.memref_slice %arg11[%add3A_172, %dma_start3A_179] : memref<32768x128xf32, #tpu.memory_space<hbm>> -> memref<64x128xf32, #tpu.memory_space<hbm>>
        tpu.enqueue_dma source(%arg20 : memref<64x128xf32, #tpu.memory_space<vmem>>) target(%dma_start3A_180 : memref<64x128xf32, #tpu.memory_space<hbm>>) target_semaphore(%arg28 : memref<!tpu.dma_semaphore, #tpu.memory_space<semaphore_mem>>)
      } else {
      }
      %add3A_70 = arith.constant 1 : i32
      %add3A_71 = arith.addi %add3A_67, %add3A_70 : i32
      %mul3A_72 = arith.constant 256 : i32
      %mul3A_73 = arith.muli %add3A_71, %mul3A_72 : i32
      %dma_start3A_74 = tpu.memref_slice %arg16[%mul3A_73] : memref<8192xi32, #tpu.memory_space<vmem>> -> memref<256xi32, #tpu.memory_space<vmem>>
      %dma_start3A_75 = arith.constant 0 : i32
      %dma_start3A_76 = arith.constant 0 : i32
      %dma_start3A_77 = tpu.memref_slice %arg8[%dma_start3A_75, %dma_start3A_76] : memref<100000x128xf32, #tpu.memory_space<hbm>> -> memref<100000x128xf32, #tpu.memory_space<hbm>>
      tpu.enqueue_indirect_dma source(%dma_start3A_77 : memref<100000x128xf32, #tpu.memory_space<hbm>>) target(%arg23 : memref<256x128xf32, #tpu.memory_space<vmem>>) offsets(%dma_start3A_74 : memref<256xi32, #tpu.memory_space<vmem>>) semaphore(%arg29 : memref<!tpu.dma_semaphore, #tpu.memory_space<semaphore_mem>>)
      %gt3A = arith.constant 0 : i32
      %gt3A_78 = arith.cmpi sgt, %scan3A_63, %gt3A : i32
      %convert_element_type3A_79 = arith.extui %gt3A_78 : i1 to i32
      %cond3A_80 = arith.constant 0 : i32
      %cond3A_81 = arith.cmpi ne, %convert_element_type3A_79, %cond3A_80 : i32
      scf.if %cond3A_81 {
        %dma_wait3A_139 = arith.constant 0 : i32
        %dma_wait3A_140 = arith.constant 0 : i32
        %dma_wait3A_141 = tpu.memref_slice %arg12[%dma_wait3A_139, %dma_wait3A_140] : memref<32768x128xf32, #tpu.memory_space<hbm>> -> memref<32x128xf32, #tpu.memory_space<hbm>>
        %dma_wait3A_142 = arith.constant 0 : i32
        %dma_wait3A_143 = arith.constant 0 : i32
        %dma_wait3A_144 = tpu.memref_slice %arg12[%dma_wait3A_142, %dma_wait3A_143] : memref<32768x128xf32, #tpu.memory_space<hbm>> -> memref<32x128xf32, #tpu.memory_space<hbm>>
        tpu.wait_dma2 semaphore(%arg30 : memref<!tpu.dma_semaphore, #tpu.memory_space<semaphore_mem>>) src(%arg24 : memref<32x128xf32, #tpu.memory_space<vmem>>) dst(%dma_wait3A_144 : memref<32x128xf32, #tpu.memory_space<hbm>>)
      } else {
      }
      %mul3A_82 = arith.constant 256 : i32
      %mul3A_83 = arith.muli %add3A_67, %mul3A_82 : i32
      %dma_wait3A_84 = tpu.memref_slice %arg16[%mul3A_83] : memref<8192xi32, #tpu.memory_space<vmem>> -> memref<256xi32, #tpu.memory_space<vmem>>
      %dma_wait3A_85 = arith.constant 0 : i32
      %dma_wait3A_86 = arith.constant 0 : i32
      %dma_wait3A_87 = tpu.memref_slice %arg8[%dma_wait3A_85, %dma_wait3A_86] : memref<100000x128xf32, #tpu.memory_space<hbm>> -> memref<100000x128xf32, #tpu.memory_space<hbm>>
      tpu.wait_indirect_dma semaphore(%arg29 : memref<!tpu.dma_semaphore, #tpu.memory_space<semaphore_mem>>) src(%dma_wait3A_87 : memref<100000x128xf32, #tpu.memory_space<hbm>>) dst(%arg22 : memref<256x128xf32, #tpu.memory_space<vmem>>)
      %scan3A_88 = arith.constant 0 : i32
      %scan3A_89 = arith.constant 0 : i32
      %scan3A_90 = arith.constant 32 : i32
      %scan3A_91 = arith.addi %scan3A_89, %scan3A_90 : i32
      %scan3A_92 = arith.constant 1 : i32
      scf.for %scan3A_139 = %scan3A_89 to %scan3A_91 step %scan3A_92  : i32 {
        %mul3A_140 = arith.constant 8 : i32
        %mul3A_141 = arith.muli %scan3A_139, %mul3A_140 : i32
        %get3A = arith.index_cast %mul3A_141 : i32 to index
        %get3A_142 = arith.constant 0 : index
        %get3A_143 = tpu.vector_load %arg22[%get3A, %get3A_142] {strides = array<i32>} : memref<256x128xf32, #tpu.memory_space<vmem>>, vector<1x16xf32>,
        %get3A_144 = vector.shape_cast %get3A_143 : vector<1x16xf32> to vector<16xf32>
        %mul3A_145 = arith.constant 8 : i32
        %mul3A_146 = arith.muli %scan3A_139, %mul3A_145 : i32
        %add3A_147 = arith.constant 1 : i32
        %add3A_148 = arith.addi %mul3A_146, %add3A_147 : i32
        %get3A_149 = arith.index_cast %add3A_148 : i32 to index
        %get3A_150 = arith.constant 0 : index
        %get3A_151 = tpu.vector_load %arg22[%get3A_149, %get3A_150] {strides = array<i32>} : memref<256x128xf32, #tpu.memory_space<vmem>>, vector<1x16xf32>,
        %get3A_152 = vector.shape_cast %get3A_151 : vector<1x16xf32> to vector<16xf32>
        %add3A_153 = arith.addf %get3A_144, %get3A_152 : vector<16xf32>
        %mul3A_154 = arith.constant 8 : i32
        %mul3A_155 = arith.muli %scan3A_139, %mul3A_154 : i32
        %add3A_156 = arith.constant 2 : i32
        %add3A_157 = arith.addi %mul3A_155, %add3A_156 : i32
        %get3A_158 = arith.index_cast %add3A_157 : i32 to index
        %get3A_159 = arith.constant 0 : index
        %get3A_160 = tpu.vector_load %arg22[%get3A_158, %get3A_159] {strides = array<i32>} : memref<256x128xf32, #tpu.memory_space<vmem>>, vector<1x16xf32>,
        %get3A_161 = vector.shape_cast %get3A_160 : vector<1x16xf32> to vector<16xf32>
        %add3A_162 = arith.addf %add3A_153, %get3A_161 : vector<16xf32>
        %mul3A_163 = arith.constant 8 : i32
        %mul3A_164 = arith.muli %scan3A_139, %mul3A_163 : i32
        %add3A_165 = arith.constant 3 : i32
        %add3A_166 = arith.addi %mul3A_164, %add3A_165 : i32
        %get3A_167 = arith.index_cast %add3A_166 : i32 to index
        %get3A_168 = arith.constant 0 : index
        %get3A_169 = tpu.vector_load %arg22[%get3A_167, %get3A_168] {strides = array<i32>} : memref<256x128xf32, #tpu.memory_space<vmem>>, vector<1x16xf32>,
        %get3A_170 = vector.shape_cast %get3A_169 : vector<1x16xf32> to vector<16xf32>
        %add3A_171 = arith.addf %add3A_162, %get3A_170 : vector<16xf32>
        %mul3A_172 = arith.constant 8 : i32
        %mul3A_173 = arith.muli %scan3A_139, %mul3A_172 : i32
        %add3A_174 = arith.constant 4 : i32
        %add3A_175 = arith.addi %mul3A_173, %add3A_174 : i32
        %get3A_176 = arith.index_cast %add3A_175 : i32 to index
        %get3A_177 = arith.constant 0 : index
        %get3A_178 = tpu.vector_load %arg22[%get3A_176, %get3A_177] {strides = array<i32>} : memref<256x128xf32, #tpu.memory_space<vmem>>, vector<1x16xf32>,
        %get3A_179 = vector.shape_cast %get3A_178 : vector<1x16xf32> to vector<16xf32>
        %add3A_180 = arith.addf %add3A_171, %get3A_179 : vector<16xf32>
        %mul3A_181 = arith.constant 8 : i32
        %mul3A_182 = arith.muli %scan3A_139, %mul3A_181 : i32
        %add3A_183 = arith.constant 5 : i32
        %add3A_184 = arith.addi %mul3A_182, %add3A_183 : i32
        %get3A_185 = arith.index_cast %add3A_184 : i32 to index
        %get3A_186 = arith.constant 0 : index
        %get3A_187 = tpu.vector_load %arg22[%get3A_185, %get3A_186] {strides = array<i32>} : memref<256x128xf32, #tpu.memory_space<vmem>>, vector<1x16xf32>,
        %get3A_188 = vector.shape_cast %get3A_187 : vector<1x16xf32> to vector<16xf32>
        %add3A_189 = arith.addf %add3A_180, %get3A_188 : vector<16xf32>
        %mul3A_190 = arith.constant 8 : i32
        %mul3A_191 = arith.muli %scan3A_139, %mul3A_190 : i32
        %add3A_192 = arith.constant 6 : i32
        %add3A_193 = arith.addi %mul3A_191, %add3A_192 : i32
        %get3A_194 = arith.index_cast %add3A_193 : i32 to index
        %get3A_195 = arith.constant 0 : index
        %get3A_196 = tpu.vector_load %arg22[%get3A_194, %get3A_195] {strides = array<i32>} : memref<256x128xf32, #tpu.memory_space<vmem>>, vector<1x16xf32>,
        %get3A_197 = vector.shape_cast %get3A_196 : vector<1x16xf32> to vector<16xf32>
        %add3A_198 = arith.addf %add3A_189, %get3A_197 : vector<16xf32>
        %mul3A_199 = arith.constant 8 : i32
        %mul3A_200 = arith.muli %scan3A_139, %mul3A_199 : i32
        %add3A_201 = arith.constant 7 : i32
        %add3A_202 = arith.addi %mul3A_200, %add3A_201 : i32
        %get3A_203 = arith.index_cast %add3A_202 : i32 to index
        %get3A_204 = arith.constant 0 : index
        %get3A_205 = tpu.vector_load %arg22[%get3A_203, %get3A_204] {strides = array<i32>} : memref<256x128xf32, #tpu.memory_space<vmem>>, vector<1x16xf32>,
        %get3A_206 = vector.shape_cast %get3A_205 : vector<1x16xf32> to vector<16xf32>
        %add3A_207 = arith.addf %add3A_198, %get3A_206 : vector<16xf32>
        %swap3A = arith.index_cast %scan3A_139 : i32 to index
        %swap3A_208 = arith.constant 0 : index
        %swap3A_209 = tpu.vector_load %arg24[%swap3A, %swap3A_208] {strides = array<i32>} : memref<32x128xf32, #tpu.memory_space<vmem>>, vector<1x16xf32>,
        %swap3A_210 = vector.shape_cast %swap3A_209 : vector<1x16xf32> to vector<16xf32>
        %swap3A_211 = vector.shape_cast %add3A_207 : vector<16xf32> to vector<1x16xf32>
        tpu.vector_store %arg24[%swap3A, %swap3A_208], %swap3A_211 {strides = array<i32>} : memref<32x128xf32, #tpu.memory_space<vmem>>, vector<1x16xf32>,
        %mul3A_212 = arith.constant 8 : i32
        %mul3A_213 = arith.muli %scan3A_139, %mul3A_212 : i32
        %get3A_214 = arith.index_cast %mul3A_213 : i32 to index
        %get3A_215 = arith.constant 16 : index
        %get3A_216 = tpu.vector_load %arg22[%get3A_214, %get3A_215] {strides = array<i32>} : memref<256x128xf32, #tpu.memory_space<vmem>>, vector<1x16xf32>,
        %get3A_217 = vector.shape_cast %get3A_216 : vector<1x16xf32> to vector<16xf32>
        %mul3A_218 = arith.constant 8 : i32
        %mul3A_219 = arith.muli %scan3A_139, %mul3A_218 : i32
        %add3A_220 = arith.constant 1 : i32
        %add3A_221 = arith.addi %mul3A_219, %add3A_220 : i32
        %get3A_222 = arith.index_cast %add3A_221 : i32 to index
        %get3A_223 = arith.constant 16 : index
        %get3A_224 = tpu.vector_load %arg22[%get3A_222, %get3A_223] {strides = array<i32>} : memref<256x128xf32, #tpu.memory_space<vmem>>, vector<1x16xf32>,
        %get3A_225 = vector.shape_cast %get3A_224 : vector<1x16xf32> to vector<16xf32>
        %add3A_226 = arith.addf %get3A_217, %get3A_225 : vector<16xf32>
        %mul3A_227 = arith.constant 8 : i32
        %mul3A_228 = arith.muli %scan3A_139, %mul3A_227 : i32
        %add3A_229 = arith.constant 2 : i32
        %add3A_230 = arith.addi %mul3A_228, %add3A_229 : i32
        %get3A_231 = arith.index_cast %add3A_230 : i32 to index
        %get3A_232 = arith.constant 16 : index
        %get3A_233 = tpu.vector_load %arg22[%get3A_231, %get3A_232] {strides = array<i32>} : memref<256x128xf32, #tpu.memory_space<vmem>>, vector<1x16xf32>,
        %get3A_234 = vector.shape_cast %get3A_233 : vector<1x16xf32> to vector<16xf32>
        %add3A_235 = arith.addf %add3A_226, %get3A_234 : vector<16xf32>
        %mul3A_236 = arith.constant 8 : i32
        %mul3A_237 = arith.muli %scan3A_139, %mul3A_236 : i32
        %add3A_238 = arith.constant 3 : i32
        %add3A_239 = arith.addi %mul3A_237, %add3A_238 : i32
        %get3A_240 = arith.index_cast %add3A_239 : i32 to index
        %get3A_241 = arith.constant 16 : index
        %get3A_242 = tpu.vector_load %arg22[%get3A_240, %get3A_241] {strides = array<i32>} : memref<256x128xf32, #tpu.memory_space<vmem>>, vector<1x16xf32>,
        %get3A_243 = vector.shape_cast %get3A_242 : vector<1x16xf32> to vector<16xf32>
        %add3A_244 = arith.addf %add3A_235, %get3A_243 : vector<16xf32>
        %mul3A_245 = arith.constant 8 : i32
        %mul3A_246 = arith.muli %scan3A_139, %mul3A_245 : i32
        %add3A_247 = arith.constant 4 : i32
        %add3A_248 = arith.addi %mul3A_246, %add3A_247 : i32
        %get3A_249 = arith.index_cast %add3A_248 : i32 to index
        %get3A_250 = arith.constant 16 : index
        %get3A_251 = tpu.vector_load %arg22[%get3A_249, %get3A_250] {strides = array<i32>} : memref<256x128xf32, #tpu.memory_space<vmem>>, vector<1x16xf32>,
        %get3A_252 = vector.shape_cast %get3A_251 : vector<1x16xf32> to vector<16xf32>
        %add3A_253 = arith.addf %add3A_244, %get3A_252 : vector<16xf32>
        %mul3A_254 = arith.constant 8 : i32
        %mul3A_255 = arith.muli %scan3A_139, %mul3A_254 : i32
        %add3A_256 = arith.constant 5 : i32
        %add3A_257 = arith.addi %mul3A_255, %add3A_256 : i32
        %get3A_258 = arith.index_cast %add3A_257 : i32 to index
        %get3A_259 = arith.constant 16 : index
        %get3A_260 = tpu.vector_load %arg22[%get3A_258, %get3A_259] {strides = array<i32>} : memref<256x128xf32, #tpu.memory_space<vmem>>, vector<1x16xf32>,
        %get3A_261 = vector.shape_cast %get3A_260 : vector<1x16xf32> to vector<16xf32>
        %add3A_262 = arith.addf %add3A_253, %get3A_261 : vector<16xf32>
        %mul3A_263 = arith.constant 8 : i32
        %mul3A_264 = arith.muli %scan3A_139, %mul3A_263 : i32
        %add3A_265 = arith.constant 6 : i32
        %add3A_266 = arith.addi %mul3A_264, %add3A_265 : i32
        %get3A_267 = arith.index_cast %add3A_266 : i32 to index
        %get3A_268 = arith.constant 16 : index
        %get3A_269 = tpu.vector_load %arg22[%get3A_267, %get3A_268] {strides = array<i32>} : memref<256x128xf32, #tpu.memory_space<vmem>>, vector<1x16xf32>,
        %get3A_270 = vector.shape_cast %get3A_269 : vector<1x16xf32> to vector<16xf32>
        %add3A_271 = arith.addf %add3A_262, %get3A_270 : vector<16xf32>
        %mul3A_272 = arith.constant 8 : i32
        %mul3A_273 = arith.muli %scan3A_139, %mul3A_272 : i32
        %add3A_274 = arith.constant 7 : i32
        %add3A_275 = arith.addi %mul3A_273, %add3A_274 : i32
        %get3A_276 = arith.index_cast %add3A_275 : i32 to index
        %get3A_277 = arith.constant 16 : index
        %get3A_278 = tpu.vector_load %arg22[%get3A_276, %get3A_277] {strides = array<i32>} : memref<256x128xf32, #tpu.memory_space<vmem>>, vector<1x16xf32>,
        %get3A_279 = vector.shape_cast %get3A_278 : vector<1x16xf32> to vector<16xf32>
        %add3A_280 = arith.addf %add3A_271, %get3A_279 : vector<16xf32>
        %swap3A_281 = arith.index_cast %scan3A_139 : i32 to index
        %swap3A_282 = arith.constant 16 : index
        %swap3A_283 = tpu.vector_load %arg24[%swap3A_281, %swap3A_282] {strides = array<i32>} : memref<32x128xf32, #tpu.memory_space<vmem>>, vector<1x16xf32>,
        %swap3A_284 = vector.shape_cast %swap3A_283 : vector<1x16xf32> to vector<16xf32>
        %swap3A_285 = vector.shape_cast %add3A_280 : vector<16xf32> to vector<1x16xf32>
        tpu.vector_store %arg24[%swap3A_281, %swap3A_282], %swap3A_285 {strides = array<i32>} : memref<32x128xf32, #tpu.memory_space<vmem>>, vector<1x16xf32>,
        %mul3A_286 = arith.constant 8 : i32
        %mul3A_287 = arith.muli %scan3A_139, %mul3A_286 : i32
        %get3A_288 = arith.index_cast %mul3A_287 : i32 to index
        %get3A_289 = arith.constant 32 : index
        %get3A_290 = tpu.vector_load %arg22[%get3A_288, %get3A_289] {strides = array<i32>} : memref<256x128xf32, #tpu.memory_space<vmem>>, vector<1x16xf32>,
        %get3A_291 = vector.shape_cast %get3A_290 : vector<1x16xf32> to vector<16xf32>
        %mul3A_292 = arith.constant 8 : i32
        %mul3A_293 = arith.muli %scan3A_139, %mul3A_292 : i32
        %add3A_294 = arith.constant 1 : i32
        %add3A_295 = arith.addi %mul3A_293, %add3A_294 : i32
        %get3A_296 = arith.index_cast %add3A_295 : i32 to index
        %get3A_297 = arith.constant 32 : index
        %get3A_298 = tpu.vector_load %arg22[%get3A_296, %get3A_297] {strides = array<i32>} : memref<256x128xf32, #tpu.memory_space<vmem>>, vector<1x16xf32>,
        %get3A_299 = vector.shape_cast %get3A_298 : vector<1x16xf32> to vector<16xf32>
        %add3A_300 = arith.addf %get3A_291, %get3A_299 : vector<16xf32>
        %mul3A_301 = arith.constant 8 : i32
        %mul3A_302 = arith.muli %scan3A_139, %mul3A_301 : i32
        %add3A_303 = arith.constant 2 : i32
        %add3A_304 = arith.addi %mul3A_302, %add3A_303 : i32
        %get3A_305 = arith.index_cast %add3A_304 : i32 to index
        %get3A_306 = arith.constant 32 : index
        %get3A_307 = tpu.vector_load %arg22[%get3A_305, %get3A_306] {strides = array<i32>} : memref<256x128xf32, #tpu.memory_space<vmem>>, vector<1x16xf32>,
        %get3A_308 = vector.shape_cast %get3A_307 : vector<1x16xf32> to vector<16xf32>
        %add3A_309 = arith.addf %add3A_300, %get3A_308 : vector<16xf32>
        %mul3A_310 = arith.constant 8 : i32
        %mul3A_311 = arith.muli %scan3A_139, %mul3A_310 : i32
        %add3A_312 = arith.constant 3 : i32
        %add3A_313 = arith.addi %mul3A_311, %add3A_312 : i32
        %get3A_314 = arith.index_cast %add3A_313 : i32 to index
        %get3A_315 = arith.constant 32 : index
        %get3A_316 = tpu.vector_load %arg22[%get3A_314, %get3A_315] {strides = array<i32>} : memref<256x128xf32, #tpu.memory_space<vmem>>, vector<1x16xf32>,
        %get3A_317 = vector.shape_cast %get3A_316 : vector<1x16xf32> to vector<16xf32>
        %add3A_318 = arith.addf %add3A_309, %get3A_317 : vector<16xf32>
        %mul3A_319 = arith.constant 8 : i32
        %mul3A_320 = arith.muli %scan3A_139, %mul3A_319 : i32
        %add3A_321 = arith.constant 4 : i32
        %add3A_322 = arith.addi %mul3A_320, %add3A_321 : i32
        %get3A_323 = arith.index_cast %add3A_322 : i32 to index
        %get3A_324 = arith.constant 32 : index
        %get3A_325 = tpu.vector_load %arg22[%get3A_323, %get3A_324] {strides = array<i32>} : memref<256x128xf32, #tpu.memory_space<vmem>>, vector<1x16xf32>,
        %get3A_326 = vector.shape_cast %get3A_325 : vector<1x16xf32> to vector<16xf32>
        %add3A_327 = arith.addf %add3A_318, %get3A_326 : vector<16xf32>
        %mul3A_328 = arith.constant 8 : i32
        %mul3A_329 = arith.muli %scan3A_139, %mul3A_328 : i32
        %add3A_330 = arith.constant 5 : i32
        %add3A_331 = arith.addi %mul3A_329, %add3A_330 : i32
        %get3A_332 = arith.index_cast %add3A_331 : i32 to index
        %get3A_333 = arith.constant 32 : index
        %get3A_334 = tpu.vector_load %arg22[%get3A_332, %get3A_333] {strides = array<i32>} : memref<256x128xf32, #tpu.memory_space<vmem>>, vector<1x16xf32>,
        %get3A_335 = vector.shape_cast %get3A_334 : vector<1x16xf32> to vector<16xf32>
        %add3A_336 = arith.addf %add3A_327, %get3A_335 : vector<16xf32>
        %mul3A_337 = arith.constant 8 : i32
        %mul3A_338 = arith.muli %scan3A_139, %mul3A_337 : i32
        %add3A_339 = arith.constant 6 : i32
        %add3A_340 = arith.addi %mul3A_338, %add3A_339 : i32
        %get3A_341 = arith.index_cast %add3A_340 : i32 to index
        %get3A_342 = arith.constant 32 : index
        %get3A_343 = tpu.vector_load %arg22[%get3A_341, %get3A_342] {strides = array<i32>} : memref<256x128xf32, #tpu.memory_space<vmem>>, vector<1x16xf32>,
        %get3A_344 = vector.shape_cast %get3A_343 : vector<1x16xf32> to vector<16xf32>
        %add3A_345 = arith.addf %add3A_336, %get3A_344 : vector<16xf32>
        %mul3A_346 = arith.constant 8 : i32
        %mul3A_347 = arith.muli %scan3A_139, %mul3A_346 : i32
        %add3A_348 = arith.constant 7 : i32
        %add3A_349 = arith.addi %mul3A_347, %add3A_348 : i32
        %get3A_350 = arith.index_cast %add3A_349 : i32 to index
        %get3A_351 = arith.constant 32 : index
        %get3A_352 = tpu.vector_load %arg22[%get3A_350, %get3A_351] {strides = array<i32>} : memref<256x128xf32, #tpu.memory_space<vmem>>, vector<1x16xf32>,
        %get3A_353 = vector.shape_cast %get3A_352 : vector<1x16xf32> to vector<16xf32>
        %add3A_354 = arith.addf %add3A_345, %get3A_353 : vector<16xf32>
        %swap3A_355 = arith.index_cast %scan3A_139 : i32 to index
        %swap3A_356 = arith.constant 32 : index
        %swap3A_357 = tpu.vector_load %arg24[%swap3A_355, %swap3A_356] {strides = array<i32>} : memref<32x128xf32, #tpu.memory_space<vmem>>, vector<1x16xf32>,
        %swap3A_358 = vector.shape_cast %swap3A_357 : vector<1x16xf32> to vector<16xf32>
        %swap3A_359 = vector.shape_cast %add3A_354 : vector<16xf32> to vector<1x16xf32>
        tpu.vector_store %arg24[%swap3A_355, %swap3A_356], %swap3A_359 {strides = array<i32>} : memref<32x128xf32, #tpu.memory_space<vmem>>, vector<1x16xf32>,
        %mul3A_360 = arith.constant 8 : i32
        %mul3A_361 = arith.muli %scan3A_139, %mul3A_360 : i32
        %get3A_362 = arith.index_cast %mul3A_361 : i32 to index
        %get3A_363 = arith.constant 48 : index
        %get3A_364 = tpu.vector_load %arg22[%get3A_362, %get3A_363] {strides = array<i32>} : memref<256x128xf32, #tpu.memory_space<vmem>>, vector<1x16xf32>,
        %get3A_365 = vector.shape_cast %get3A_364 : vector<1x16xf32> to vector<16xf32>
        %mul3A_366 = arith.constant 8 : i32
        %mul3A_367 = arith.muli %scan3A_139, %mul3A_366 : i32
        %add3A_368 = arith.constant 1 : i32
        %add3A_369 = arith.addi %mul3A_367, %add3A_368 : i32
        %get3A_370 = arith.index_cast %add3A_369 : i32 to index
        %get3A_371 = arith.constant 48 : index
        %get3A_372 = tpu.vector_load %arg22[%get3A_370, %get3A_371] {strides = array<i32>} : memref<256x128xf32, #tpu.memory_space<vmem>>, vector<1x16xf32>,
        %get3A_373 = vector.shape_cast %get3A_372 : vector<1x16xf32> to vector<16xf32>
        %add3A_374 = arith.addf %get3A_365, %get3A_373 : vector<16xf32>
        %mul3A_375 = arith.constant 8 : i32
        %mul3A_376 = arith.muli %scan3A_139, %mul3A_375 : i32
        %add3A_377 = arith.constant 2 : i32
        %add3A_378 = arith.addi %mul3A_376, %add3A_377 : i32
        %get3A_379 = arith.index_cast %add3A_378 : i32 to index
        %get3A_380 = arith.constant 48 : index
        %get3A_381 = tpu.vector_load %arg22[%get3A_379, %get3A_380] {strides = array<i32>} : memref<256x128xf32, #tpu.memory_space<vmem>>, vector<1x16xf32>,
        %get3A_382 = vector.shape_cast %get3A_381 : vector<1x16xf32> to vector<16xf32>
        %add3A_383 = arith.addf %add3A_374, %get3A_382 : vector<16xf32>
        %mul3A_384 = arith.constant 8 : i32
        %mul3A_385 = arith.muli %scan3A_139, %mul3A_384 : i32
        %add3A_386 = arith.constant 3 : i32
        %add3A_387 = arith.addi %mul3A_385, %add3A_386 : i32
        %get3A_388 = arith.index_cast %add3A_387 : i32 to index
        %get3A_389 = arith.constant 48 : index
        %get3A_390 = tpu.vector_load %arg22[%get3A_388, %get3A_389] {strides = array<i32>} : memref<256x128xf32, #tpu.memory_space<vmem>>, vector<1x16xf32>,
        %get3A_391 = vector.shape_cast %get3A_390 : vector<1x16xf32> to vector<16xf32>
        %add3A_392 = arith.addf %add3A_383, %get3A_391 : vector<16xf32>
        %mul3A_393 = arith.constant 8 : i32
        %mul3A_394 = arith.muli %scan3A_139, %mul3A_393 : i32
        %add3A_395 = arith.constant 4 : i32
        %add3A_396 = arith.addi %mul3A_394, %add3A_395 : i32
        %get3A_397 = arith.index_cast %add3A_396 : i32 to index
        %get3A_398 = arith.constant 48 : index
        %get3A_399 = tpu.vector_load %arg22[%get3A_397, %get3A_398] {strides = array<i32>} : memref<256x128xf32, #tpu.memory_space<vmem>>, vector<1x16xf32>,
        %get3A_400 = vector.shape_cast %get3A_399 : vector<1x16xf32> to vector<16xf32>
        %add3A_401 = arith.addf %add3A_392, %get3A_400 : vector<16xf32>
        %mul3A_402 = arith.constant 8 : i32
        %mul3A_403 = arith.muli %scan3A_139, %mul3A_402 : i32
        %add3A_404 = arith.constant 5 : i32
        %add3A_405 = arith.addi %mul3A_403, %add3A_404 : i32
        %get3A_406 = arith.index_cast %add3A_405 : i32 to index
        %get3A_407 = arith.constant 48 : index
        %get3A_408 = tpu.vector_load %arg22[%get3A_406, %get3A_407] {strides = array<i32>} : memref<256x128xf32, #tpu.memory_space<vmem>>, vector<1x16xf32>,
        %get3A_409 = vector.shape_cast %get3A_408 : vector<1x16xf32> to vector<16xf32>
        %add3A_410 = arith.addf %add3A_401, %get3A_409 : vector<16xf32>
        %mul3A_411 = arith.constant 8 : i32
        %mul3A_412 = arith.muli %scan3A_139, %mul3A_411 : i32
        %add3A_413 = arith.constant 6 : i32
        %add3A_414 = arith.addi %mul3A_412, %add3A_413 : i32
        %get3A_415 = arith.index_cast %add3A_414 : i32 to index
        %get3A_416 = arith.constant 48 : index
        %get3A_417 = tpu.vector_load %arg22[%get3A_415, %get3A_416] {strides = array<i32>} : memref<256x128xf32, #tpu.memory_space<vmem>>, vector<1x16xf32>,
        %get3A_418 = vector.shape_cast %get3A_417 : vector<1x16xf32> to vector<16xf32>
        %add3A_419 = arith.addf %add3A_410, %get3A_418 : vector<16xf32>
        %mul3A_420 = arith.constant 8 : i32
        %mul3A_421 = arith.muli %scan3A_139, %mul3A_420 : i32
        %add3A_422 = arith.constant 7 : i32
        %add3A_423 = arith.addi %mul3A_421, %add3A_422 : i32
        %get3A_424 = arith.index_cast %add3A_423 : i32 to index
        %get3A_425 = arith.constant 48 : index
        %get3A_426 = tpu.vector_load %arg22[%get3A_424, %get3A_425] {strides = array<i32>} : memref<256x128xf32, #tpu.memory_space<vmem>>, vector<1x16xf32>,
        %get3A_427 = vector.shape_cast %get3A_426 : vector<1x16xf32> to vector<16xf32>
        %add3A_428 = arith.addf %add3A_419, %get3A_427 : vector<16xf32>
        %swap3A_429 = arith.index_cast %scan3A_139 : i32 to index
        %swap3A_430 = arith.constant 48 : index
        %swap3A_431 = tpu.vector_load %arg24[%swap3A_429, %swap3A_430] {strides = array<i32>} : memref<32x128xf32, #tpu.memory_space<vmem>>, vector<1x16xf32>,
        %swap3A_432 = vector.shape_cast %swap3A_431 : vector<1x16xf32> to vector<16xf32>
        %swap3A_433 = vector.shape_cast %add3A_428 : vector<16xf32> to vector<1x16xf32>
        tpu.vector_store %arg24[%swap3A_429, %swap3A_430], %swap3A_433 {strides = array<i32>} : memref<32x128xf32, #tpu.memory_space<vmem>>, vector<1x16xf32>,
        %mul3A_434 = arith.constant 8 : i32
        %mul3A_435 = arith.muli %scan3A_139, %mul3A_434 : i32
        %get3A_436 = arith.index_cast %mul3A_435 : i32 to index
        %get3A_437 = arith.constant 64 : index
        %get3A_438 = tpu.vector_load %arg22[%get3A_436, %get3A_437] {strides = array<i32>} : memref<256x128xf32, #tpu.memory_space<vmem>>, vector<1x16xf32>,
        %get3A_439 = vector.shape_cast %get3A_438 : vector<1x16xf32> to vector<16xf32>
        %mul3A_440 = arith.constant 8 : i32
        %mul3A_441 = arith.muli %scan3A_139, %mul3A_440 : i32
        %add3A_442 = arith.constant 1 : i32
        %add3A_443 = arith.addi %mul3A_441, %add3A_442 : i32
        %get3A_444 = arith.index_cast %add3A_443 : i32 to index
        %get3A_445 = arith.constant 64 : index
        %get3A_446 = tpu.vector_load %arg22[%get3A_444, %get3A_445] {strides = array<i32>} : memref<256x128xf32, #tpu.memory_space<vmem>>, vector<1x16xf32>,
        %get3A_447 = vector.shape_cast %get3A_446 : vector<1x16xf32> to vector<16xf32>
        %add3A_448 = arith.addf %get3A_439, %get3A_447 : vector<16xf32>
        %mul3A_449 = arith.constant 8 : i32
        %mul3A_450 = arith.muli %scan3A_139, %mul3A_449 : i32
        %add3A_451 = arith.constant 2 : i32
        %add3A_452 = arith.addi %mul3A_450, %add3A_451 : i32
        %get3A_453 = arith.index_cast %add3A_452 : i32 to index
        %get3A_454 = arith.constant 64 : index
        %get3A_455 = tpu.vector_load %arg22[%get3A_453, %get3A_454] {strides = array<i32>} : memref<256x128xf32, #tpu.memory_space<vmem>>, vector<1x16xf32>,
        %get3A_456 = vector.shape_cast %get3A_455 : vector<1x16xf32> to vector<16xf32>
        %add3A_457 = arith.addf %add3A_448, %get3A_456 : vector<16xf32>
        %mul3A_458 = arith.constant 8 : i32
        %mul3A_459 = arith.muli %scan3A_139, %mul3A_458 : i32
        %add3A_460 = arith.constant 3 : i32
        %add3A_461 = arith.addi %mul3A_459, %add3A_460 : i32
        %get3A_462 = arith.index_cast %add3A_461 : i32 to index
        %get3A_463 = arith.constant 64 : index
        %get3A_464 = tpu.vector_load %arg22[%get3A_462, %get3A_463] {strides = array<i32>} : memref<256x128xf32, #tpu.memory_space<vmem>>, vector<1x16xf32>,
        %get3A_465 = vector.shape_cast %get3A_464 : vector<1x16xf32> to vector<16xf32>
        %add3A_466 = arith.addf %add3A_457, %get3A_465 : vector<16xf32>
        %mul3A_467 = arith.constant 8 : i32
        %mul3A_468 = arith.muli %scan3A_139, %mul3A_467 : i32
        %add3A_469 = arith.constant 4 : i32
        %add3A_470 = arith.addi %mul3A_468, %add3A_469 : i32
        %get3A_471 = arith.index_cast %add3A_470 : i32 to index
        %get3A_472 = arith.constant 64 : index
        %get3A_473 = tpu.vector_load %arg22[%get3A_471, %get3A_472] {strides = array<i32>} : memref<256x128xf32, #tpu.memory_space<vmem>>, vector<1x16xf32>,
        %get3A_474 = vector.shape_cast %get3A_473 : vector<1x16xf32> to vector<16xf32>
        %add3A_475 = arith.addf %add3A_466, %get3A_474 : vector<16xf32>
        %mul3A_476 = arith.constant 8 : i32
        %mul3A_477 = arith.muli %scan3A_139, %mul3A_476 : i32
        %add3A_478 = arith.constant 5 : i32
        %add3A_479 = arith.addi %mul3A_477, %add3A_478 : i32
        %get3A_480 = arith.index_cast %add3A_479 : i32 to index
        %get3A_481 = arith.constant 64 : index
        %get3A_482 = tpu.vector_load %arg22[%get3A_480, %get3A_481] {strides = array<i32>} : memref<256x128xf32, #tpu.memory_space<vmem>>, vector<1x16xf32>,
        %get3A_483 = vector.shape_cast %get3A_482 : vector<1x16xf32> to vector<16xf32>
        %add3A_484 = arith.addf %add3A_475, %get3A_483 : vector<16xf32>
        %mul3A_485 = arith.constant 8 : i32
        %mul3A_486 = arith.muli %scan3A_139, %mul3A_485 : i32
        %add3A_487 = arith.constant 6 : i32
        %add3A_488 = arith.addi %mul3A_486, %add3A_487 : i32
        %get3A_489 = arith.index_cast %add3A_488 : i32 to index
        %get3A_490 = arith.constant 64 : index
        %get3A_491 = tpu.vector_load %arg22[%get3A_489, %get3A_490] {strides = array<i32>} : memref<256x128xf32, #tpu.memory_space<vmem>>, vector<1x16xf32>,
        %get3A_492 = vector.shape_cast %get3A_491 : vector<1x16xf32> to vector<16xf32>
        %add3A_493 = arith.addf %add3A_484, %get3A_492 : vector<16xf32>
        %mul3A_494 = arith.constant 8 : i32
        %mul3A_495 = arith.muli %scan3A_139, %mul3A_494 : i32
        %add3A_496 = arith.constant 7 : i32
        %add3A_497 = arith.addi %mul3A_495, %add3A_496 : i32
        %get3A_498 = arith.index_cast %add3A_497 : i32 to index
        %get3A_499 = arith.constant 64 : index
        %get3A_500 = tpu.vector_load %arg22[%get3A_498, %get3A_499] {strides = array<i32>} : memref<256x128xf32, #tpu.memory_space<vmem>>, vector<1x16xf32>,
        %get3A_501 = vector.shape_cast %get3A_500 : vector<1x16xf32> to vector<16xf32>
        %add3A_502 = arith.addf %add3A_493, %get3A_501 : vector<16xf32>
        %swap3A_503 = arith.index_cast %scan3A_139 : i32 to index
        %swap3A_504 = arith.constant 64 : index
        %swap3A_505 = tpu.vector_load %arg24[%swap3A_503, %swap3A_504] {strides = array<i32>} : memref<32x128xf32, #tpu.memory_space<vmem>>, vector<1x16xf32>,
        %swap3A_506 = vector.shape_cast %swap3A_505 : vector<1x16xf32> to vector<16xf32>
        %swap3A_507 = vector.shape_cast %add3A_502 : vector<16xf32> to vector<1x16xf32>
        tpu.vector_store %arg24[%swap3A_503, %swap3A_504], %swap3A_507 {strides = array<i32>} : memref<32x128xf32, #tpu.memory_space<vmem>>, vector<1x16xf32>,
        %mul3A_508 = arith.constant 8 : i32
        %mul3A_509 = arith.muli %scan3A_139, %mul3A_508 : i32
        %get3A_510 = arith.index_cast %mul3A_509 : i32 to index
        %get3A_511 = arith.constant 80 : index
        %get3A_512 = tpu.vector_load %arg22[%get3A_510, %get3A_511] {strides = array<i32>} : memref<256x128xf32, #tpu.memory_space<vmem>>, vector<1x16xf32>,
        %get3A_513 = vector.shape_cast %get3A_512 : vector<1x16xf32> to vector<16xf32>
        %mul3A_514 = arith.constant 8 : i32
        %mul3A_515 = arith.muli %scan3A_139, %mul3A_514 : i32
        %add3A_516 = arith.constant 1 : i32
        %add3A_517 = arith.addi %mul3A_515, %add3A_516 : i32
        %get3A_518 = arith.index_cast %add3A_517 : i32 to index
        %get3A_519 = arith.constant 80 : index
        %get3A_520 = tpu.vector_load %arg22[%get3A_518, %get3A_519] {strides = array<i32>} : memref<256x128xf32, #tpu.memory_space<vmem>>, vector<1x16xf32>,
        %get3A_521 = vector.shape_cast %get3A_520 : vector<1x16xf32> to vector<16xf32>
        %add3A_522 = arith.addf %get3A_513, %get3A_521 : vector<16xf32>
        %mul3A_523 = arith.constant 8 : i32
        %mul3A_524 = arith.muli %scan3A_139, %mul3A_523 : i32
        %add3A_525 = arith.constant 2 : i32
        %add3A_526 = arith.addi %mul3A_524, %add3A_525 : i32
        %get3A_527 = arith.index_cast %add3A_526 : i32 to index
        %get3A_528 = arith.constant 80 : index
        %get3A_529 = tpu.vector_load %arg22[%get3A_527, %get3A_528] {strides = array<i32>} : memref<256x128xf32, #tpu.memory_space<vmem>>, vector<1x16xf32>,
        %get3A_530 = vector.shape_cast %get3A_529 : vector<1x16xf32> to vector<16xf32>
        %add3A_531 = arith.addf %add3A_522, %get3A_530 : vector<16xf32>
        %mul3A_532 = arith.constant 8 : i32
        %mul3A_533 = arith.muli %scan3A_139, %mul3A_532 : i32
        %add3A_534 = arith.constant 3 : i32
        %add3A_535 = arith.addi %mul3A_533, %add3A_534 : i32
        %get3A_536 = arith.index_cast %add3A_535 : i32 to index
        %get3A_537 = arith.constant 80 : index
        %get3A_538 = tpu.vector_load %arg22[%get3A_536, %get3A_537] {strides = array<i32>} : memref<256x128xf32, #tpu.memory_space<vmem>>, vector<1x16xf32>,
        %get3A_539 = vector.shape_cast %get3A_538 : vector<1x16xf32> to vector<16xf32>
        %add3A_540 = arith.addf %add3A_531, %get3A_539 : vector<16xf32>
        %mul3A_541 = arith.constant 8 : i32
        %mul3A_542 = arith.muli %scan3A_139, %mul3A_541 : i32
        %add3A_543 = arith.constant 4 : i32
        %add3A_544 = arith.addi %mul3A_542, %add3A_543 : i32
        %get3A_545 = arith.index_cast %add3A_544 : i32 to index
        %get3A_546 = arith.constant 80 : index
        %get3A_547 = tpu.vector_load %arg22[%get3A_545, %get3A_546] {strides = array<i32>} : memref<256x128xf32, #tpu.memory_space<vmem>>, vector<1x16xf32>,
        %get3A_548 = vector.shape_cast %get3A_547 : vector<1x16xf32> to vector<16xf32>
        %add3A_549 = arith.addf %add3A_540, %get3A_548 : vector<16xf32>
        %mul3A_550 = arith.constant 8 : i32
        %mul3A_551 = arith.muli %scan3A_139, %mul3A_550 : i32
        %add3A_552 = arith.constant 5 : i32
        %add3A_553 = arith.addi %mul3A_551, %add3A_552 : i32
        %get3A_554 = arith.index_cast %add3A_553 : i32 to index
        %get3A_555 = arith.constant 80 : index
        %get3A_556 = tpu.vector_load %arg22[%get3A_554, %get3A_555] {strides = array<i32>} : memref<256x128xf32, #tpu.memory_space<vmem>>, vector<1x16xf32>,
        %get3A_557 = vector.shape_cast %get3A_556 : vector<1x16xf32> to vector<16xf32>
        %add3A_558 = arith.addf %add3A_549, %get3A_557 : vector<16xf32>
        %mul3A_559 = arith.constant 8 : i32
        %mul3A_560 = arith.muli %scan3A_139, %mul3A_559 : i32
        %add3A_561 = arith.constant 6 : i32
        %add3A_562 = arith.addi %mul3A_560, %add3A_561 : i32
        %get3A_563 = arith.index_cast %add3A_562 : i32 to index
        %get3A_564 = arith.constant 80 : index
        %get3A_565 = tpu.vector_load %arg22[%get3A_563, %get3A_564] {strides = array<i32>} : memref<256x128xf32, #tpu.memory_space<vmem>>, vector<1x16xf32>,
        %get3A_566 = vector.shape_cast %get3A_565 : vector<1x16xf32> to vector<16xf32>
        %add3A_567 = arith.addf %add3A_558, %get3A_566 : vector<16xf32>
        %mul3A_568 = arith.constant 8 : i32
        %mul3A_569 = arith.muli %scan3A_139, %mul3A_568 : i32
        %add3A_570 = arith.constant 7 : i32
        %add3A_571 = arith.addi %mul3A_569, %add3A_570 : i32
        %get3A_572 = arith.index_cast %add3A_571 : i32 to index
        %get3A_573 = arith.constant 80 : index
        %get3A_574 = tpu.vector_load %arg22[%get3A_572, %get3A_573] {strides = array<i32>} : memref<256x128xf32, #tpu.memory_space<vmem>>, vector<1x16xf32>,
        %get3A_575 = vector.shape_cast %get3A_574 : vector<1x16xf32> to vector<16xf32>
        %add3A_576 = arith.addf %add3A_567, %get3A_575 : vector<16xf32>
        %swap3A_577 = arith.index_cast %scan3A_139 : i32 to index
        %swap3A_578 = arith.constant 80 : index
        %swap3A_579 = tpu.vector_load %arg24[%swap3A_577, %swap3A_578] {strides = array<i32>} : memref<32x128xf32, #tpu.memory_space<vmem>>, vector<1x16xf32>,
        %swap3A_580 = vector.shape_cast %swap3A_579 : vector<1x16xf32> to vector<16xf32>
        %swap3A_581 = vector.shape_cast %add3A_576 : vector<16xf32> to vector<1x16xf32>
        tpu.vector_store %arg24[%swap3A_577, %swap3A_578], %swap3A_581 {strides = array<i32>} : memref<32x128xf32, #tpu.memory_space<vmem>>, vector<1x16xf32>,
        %mul3A_582 = arith.constant 8 : i32
        %mul3A_583 = arith.muli %scan3A_139, %mul3A_582 : i32
        %get3A_584 = arith.index_cast %mul3A_583 : i32 to index
        %get3A_585 = arith.constant 96 : index
        %get3A_586 = tpu.vector_load %arg22[%get3A_584, %get3A_585] {strides = array<i32>} : memref<256x128xf32, #tpu.memory_space<vmem>>, vector<1x16xf32>,
        %get3A_587 = vector.shape_cast %get3A_586 : vector<1x16xf32> to vector<16xf32>
        %mul3A_588 = arith.constant 8 : i32
        %mul3A_589 = arith.muli %scan3A_139, %mul3A_588 : i32
        %add3A_590 = arith.constant 1 : i32
        %add3A_591 = arith.addi %mul3A_589, %add3A_590 : i32
        %get3A_592 = arith.index_cast %add3A_591 : i32 to index
        %get3A_593 = arith.constant 96 : index
        %get3A_594 = tpu.vector_load %arg22[%get3A_592, %get3A_593] {strides = array<i32>} : memref<256x128xf32, #tpu.memory_space<vmem>>, vector<1x16xf32>,
        %get3A_595 = vector.shape_cast %get3A_594 : vector<1x16xf32> to vector<16xf32>
        %add3A_596 = arith.addf %get3A_587, %get3A_595 : vector<16xf32>
        %mul3A_597 = arith.constant 8 : i32
        %mul3A_598 = arith.muli %scan3A_139, %mul3A_597 : i32
        %add3A_599 = arith.constant 2 : i32
        %add3A_600 = arith.addi %mul3A_598, %add3A_599 : i32
        %get3A_601 = arith.index_cast %add3A_600 : i32 to index
        %get3A_602 = arith.constant 96 : index
        %get3A_603 = tpu.vector_load %arg22[%get3A_601, %get3A_602] {strides = array<i32>} : memref<256x128xf32, #tpu.memory_space<vmem>>, vector<1x16xf32>,
        %get3A_604 = vector.shape_cast %get3A_603 : vector<1x16xf32> to vector<16xf32>
        %add3A_605 = arith.addf %add3A_596, %get3A_604 : vector<16xf32>
        %mul3A_606 = arith.constant 8 : i32
        %mul3A_607 = arith.muli %scan3A_139, %mul3A_606 : i32
        %add3A_608 = arith.constant 3 : i32
        %add3A_609 = arith.addi %mul3A_607, %add3A_608 : i32
        %get3A_610 = arith.index_cast %add3A_609 : i32 to index
        %get3A_611 = arith.constant 96 : index
        %get3A_612 = tpu.vector_load %arg22[%get3A_610, %get3A_611] {strides = array<i32>} : memref<256x128xf32, #tpu.memory_space<vmem>>, vector<1x16xf32>,
        %get3A_613 = vector.shape_cast %get3A_612 : vector<1x16xf32> to vector<16xf32>
        %add3A_614 = arith.addf %add3A_605, %get3A_613 : vector<16xf32>
        %mul3A_615 = arith.constant 8 : i32
        %mul3A_616 = arith.muli %scan3A_139, %mul3A_615 : i32
        %add3A_617 = arith.constant 4 : i32
        %add3A_618 = arith.addi %mul3A_616, %add3A_617 : i32
        %get3A_619 = arith.index_cast %add3A_618 : i32 to index
        %get3A_620 = arith.constant 96 : index
        %get3A_621 = tpu.vector_load %arg22[%get3A_619, %get3A_620] {strides = array<i32>} : memref<256x128xf32, #tpu.memory_space<vmem>>, vector<1x16xf32>,
        %get3A_622 = vector.shape_cast %get3A_621 : vector<1x16xf32> to vector<16xf32>
        %add3A_623 = arith.addf %add3A_614, %get3A_622 : vector<16xf32>
        %mul3A_624 = arith.constant 8 : i32
        %mul3A_625 = arith.muli %scan3A_139, %mul3A_624 : i32
        %add3A_626 = arith.constant 5 : i32
        %add3A_627 = arith.addi %mul3A_625, %add3A_626 : i32
        %get3A_628 = arith.index_cast %add3A_627 : i32 to index
        %get3A_629 = arith.constant 96 : index
        %get3A_630 = tpu.vector_load %arg22[%get3A_628, %get3A_629] {strides = array<i32>} : memref<256x128xf32, #tpu.memory_space<vmem>>, vector<1x16xf32>,
        %get3A_631 = vector.shape_cast %get3A_630 : vector<1x16xf32> to vector<16xf32>
        %add3A_632 = arith.addf %add3A_623, %get3A_631 : vector<16xf32>
        %mul3A_633 = arith.constant 8 : i32
        %mul3A_634 = arith.muli %scan3A_139, %mul3A_633 : i32
        %add3A_635 = arith.constant 6 : i32
        %add3A_636 = arith.addi %mul3A_634, %add3A_635 : i32
        %get3A_637 = arith.index_cast %add3A_636 : i32 to index
        %get3A_638 = arith.constant 96 : index
        %get3A_639 = tpu.vector_load %arg22[%get3A_637, %get3A_638] {strides = array<i32>} : memref<256x128xf32, #tpu.memory_space<vmem>>, vector<1x16xf32>,
        %get3A_640 = vector.shape_cast %get3A_639 : vector<1x16xf32> to vector<16xf32>
        %add3A_641 = arith.addf %add3A_632, %get3A_640 : vector<16xf32>
        %mul3A_642 = arith.constant 8 : i32
        %mul3A_643 = arith.muli %scan3A_139, %mul3A_642 : i32
        %add3A_644 = arith.constant 7 : i32
        %add3A_645 = arith.addi %mul3A_643, %add3A_644 : i32
        %get3A_646 = arith.index_cast %add3A_645 : i32 to index
        %get3A_647 = arith.constant 96 : index
        %get3A_648 = tpu.vector_load %arg22[%get3A_646, %get3A_647] {strides = array<i32>} : memref<256x128xf32, #tpu.memory_space<vmem>>, vector<1x16xf32>,
        %get3A_649 = vector.shape_cast %get3A_648 : vector<1x16xf32> to vector<16xf32>
        %add3A_650 = arith.addf %add3A_641, %get3A_649 : vector<16xf32>
        %swap3A_651 = arith.index_cast %scan3A_139 : i32 to index
        %swap3A_652 = arith.constant 96 : index
        %swap3A_653 = tpu.vector_load %arg24[%swap3A_651, %swap3A_652] {strides = array<i32>} : memref<32x128xf32, #tpu.memory_space<vmem>>, vector<1x16xf32>,
        %swap3A_654 = vector.shape_cast %swap3A_653 : vector<1x16xf32> to vector<16xf32>
        %swap3A_655 = vector.shape_cast %add3A_650 : vector<16xf32> to vector<1x16xf32>
        tpu.vector_store %arg24[%swap3A_651, %swap3A_652], %swap3A_655 {strides = array<i32>} : memref<32x128xf32, #tpu.memory_space<vmem>>, vector<1x16xf32>,
        %mul3A_656 = arith.constant 8 : i32
        %mul3A_657 = arith.muli %scan3A_139, %mul3A_656 : i32
        %get3A_658 = arith.index_cast %mul3A_657 : i32 to index
        %get3A_659 = arith.constant 112 : index
        %get3A_660 = tpu.vector_load %arg22[%get3A_658, %get3A_659] {strides = array<i32>} : memref<256x128xf32, #tpu.memory_space<vmem>>, vector<1x16xf32>,
        %get3A_661 = vector.shape_cast %get3A_660 : vector<1x16xf32> to vector<16xf32>
        %mul3A_662 = arith.constant 8 : i32
        %mul3A_663 = arith.muli %scan3A_139, %mul3A_662 : i32
        %add3A_664 = arith.constant 1 : i32
        %add3A_665 = arith.addi %mul3A_663, %add3A_664 : i32
        %get3A_666 = arith.index_cast %add3A_665 : i32 to index
        %get3A_667 = arith.constant 112 : index
        %get3A_668 = tpu.vector_load %arg22[%get3A_666, %get3A_667] {strides = array<i32>} : memref<256x128xf32, #tpu.memory_space<vmem>>, vector<1x16xf32>,
        %get3A_669 = vector.shape_cast %get3A_668 : vector<1x16xf32> to vector<16xf32>
        %add3A_670 = arith.addf %get3A_661, %get3A_669 : vector<16xf32>
        %mul3A_671 = arith.constant 8 : i32
        %mul3A_672 = arith.muli %scan3A_139, %mul3A_671 : i32
        %add3A_673 = arith.constant 2 : i32
        %add3A_674 = arith.addi %mul3A_672, %add3A_673 : i32
        %get3A_675 = arith.index_cast %add3A_674 : i32 to index
        %get3A_676 = arith.constant 112 : index
        %get3A_677 = tpu.vector_load %arg22[%get3A_675, %get3A_676] {strides = array<i32>} : memref<256x128xf32, #tpu.memory_space<vmem>>, vector<1x16xf32>,
        %get3A_678 = vector.shape_cast %get3A_677 : vector<1x16xf32> to vector<16xf32>
        %add3A_679 = arith.addf %add3A_670, %get3A_678 : vector<16xf32>
        %mul3A_680 = arith.constant 8 : i32
        %mul3A_681 = arith.muli %scan3A_139, %mul3A_680 : i32
        %add3A_682 = arith.constant 3 : i32
        %add3A_683 = arith.addi %mul3A_681, %add3A_682 : i32
        %get3A_684 = arith.index_cast %add3A_683 : i32 to index
        %get3A_685 = arith.constant 112 : index
        %get3A_686 = tpu.vector_load %arg22[%get3A_684, %get3A_685] {strides = array<i32>} : memref<256x128xf32, #tpu.memory_space<vmem>>, vector<1x16xf32>,
        %get3A_687 = vector.shape_cast %get3A_686 : vector<1x16xf32> to vector<16xf32>
        %add3A_688 = arith.addf %add3A_679, %get3A_687 : vector<16xf32>
        %mul3A_689 = arith.constant 8 : i32
        %mul3A_690 = arith.muli %scan3A_139, %mul3A_689 : i32
        %add3A_691 = arith.constant 4 : i32
        %add3A_692 = arith.addi %mul3A_690, %add3A_691 : i32
        %get3A_693 = arith.index_cast %add3A_692 : i32 to index
        %get3A_694 = arith.constant 112 : index
        %get3A_695 = tpu.vector_load %arg22[%get3A_693, %get3A_694] {strides = array<i32>} : memref<256x128xf32, #tpu.memory_space<vmem>>, vector<1x16xf32>,
        %get3A_696 = vector.shape_cast %get3A_695 : vector<1x16xf32> to vector<16xf32>
        %add3A_697 = arith.addf %add3A_688, %get3A_696 : vector<16xf32>
        %mul3A_698 = arith.constant 8 : i32
        %mul3A_699 = arith.muli %scan3A_139, %mul3A_698 : i32
        %add3A_700 = arith.constant 5 : i32
        %add3A_701 = arith.addi %mul3A_699, %add3A_700 : i32
        %get3A_702 = arith.index_cast %add3A_701 : i32 to index
        %get3A_703 = arith.constant 112 : index
        %get3A_704 = tpu.vector_load %arg22[%get3A_702, %get3A_703] {strides = array<i32>} : memref<256x128xf32, #tpu.memory_space<vmem>>, vector<1x16xf32>,
        %get3A_705 = vector.shape_cast %get3A_704 : vector<1x16xf32> to vector<16xf32>
        %add3A_706 = arith.addf %add3A_697, %get3A_705 : vector<16xf32>
        %mul3A_707 = arith.constant 8 : i32
        %mul3A_708 = arith.muli %scan3A_139, %mul3A_707 : i32
        %add3A_709 = arith.constant 6 : i32
        %add3A_710 = arith.addi %mul3A_708, %add3A_709 : i32
        %get3A_711 = arith.index_cast %add3A_710 : i32 to index
        %get3A_712 = arith.constant 112 : index
        %get3A_713 = tpu.vector_load %arg22[%get3A_711, %get3A_712] {strides = array<i32>} : memref<256x128xf32, #tpu.memory_space<vmem>>, vector<1x16xf32>,
        %get3A_714 = vector.shape_cast %get3A_713 : vector<1x16xf32> to vector<16xf32>
        %add3A_715 = arith.addf %add3A_706, %get3A_714 : vector<16xf32>
        %mul3A_716 = arith.constant 8 : i32
        %mul3A_717 = arith.muli %scan3A_139, %mul3A_716 : i32
        %add3A_718 = arith.constant 7 : i32
        %add3A_719 = arith.addi %mul3A_717, %add3A_718 : i32
        %get3A_720 = arith.index_cast %add3A_719 : i32 to index
        %get3A_721 = arith.constant 112 : index
        %get3A_722 = tpu.vector_load %arg22[%get3A_720, %get3A_721] {strides = array<i32>} : memref<256x128xf32, #tpu.memory_space<vmem>>, vector<1x16xf32>,
        %get3A_723 = vector.shape_cast %get3A_722 : vector<1x16xf32> to vector<16xf32>
        %add3A_724 = arith.addf %add3A_715, %get3A_723 : vector<16xf32>
        %swap3A_725 = arith.index_cast %scan3A_139 : i32 to index
        %swap3A_726 = arith.constant 112 : index
        %swap3A_727 = tpu.vector_load %arg24[%swap3A_725, %swap3A_726] {strides = array<i32>} : memref<32x128xf32, #tpu.memory_space<vmem>>, vector<1x16xf32>,
        %swap3A_728 = vector.shape_cast %swap3A_727 : vector<1x16xf32> to vector<16xf32>
        %swap3A_729 = vector.shape_cast %add3A_724 : vector<16xf32> to vector<1x16xf32>
        tpu.vector_store %arg24[%swap3A_725, %swap3A_726], %swap3A_729 {strides = array<i32>} : memref<32x128xf32, #tpu.memory_space<vmem>>, vector<1x16xf32>,
      }
      %scan3A_93 = arith.constant 32 : i32
      %mul3A_94 = arith.constant 32 : i32
      %mul3A_95 = arith.muli %add3A_67, %mul3A_94 : i32
      %add3A_96 = arith.addi %mul3A_10, %mul3A_95 : i32
      %dma_start3A_97 = arith.constant 0 : i32
      %dma_start3A_98 = tpu.memref_slice %arg12[%add3A_96, %dma_start3A_97] : memref<32768x128xf32, #tpu.memory_space<hbm>> -> memref<32x128xf32, #tpu.memory_space<hbm>>
      %dma_start3A_99 = arith.constant 0 : i32
      %dma_start3A_100 = tpu.memref_slice %arg12[%add3A_96, %dma_start3A_99] : memref<32768x128xf32, #tpu.memory_space<hbm>> -> memref<32x128xf32, #tpu.memory_space<hbm>>
      tpu.enqueue_dma source(%arg24 : memref<32x128xf32, #tpu.memory_space<vmem>>) target(%dma_start3A_100 : memref<32x128xf32, #tpu.memory_space<hbm>>) target_semaphore(%arg30 : memref<!tpu.dma_semaphore, #tpu.memory_space<semaphore_mem>>)
      %mul3A_101 = arith.constant 2 : i32
      %mul3A_102 = arith.muli %scan3A_63, %mul3A_101 : i32
      %add3A_103 = arith.constant 1 : i32
      %add3A_104 = arith.addi %mul3A_102, %add3A_103 : i32
      %lt3A_105 = arith.constant 16 : i32
      %lt3A_106 = arith.cmpi slt, %add3A_104, %lt3A_105 : i32
      %convert_element_type3A_107 = arith.extui %lt3A_106 : i1 to i32
      %cond3A_108 = arith.constant 0 : i32
      %cond3A_109 = arith.cmpi ne, %convert_element_type3A_107, %cond3A_108 : i32
      scf.if %cond3A_109 {
        %dma_wait3A_139 = arith.constant 0 : i32
        %dma_wait3A_140 = arith.constant 0 : i32
        %dma_wait3A_141 = tpu.memref_slice %arg10[%dma_wait3A_139, %dma_wait3A_140] : memref<32768x128xf32, #tpu.memory_space<hbm>> -> memref<64x128xf32, #tpu.memory_space<hbm>>
        %dma_wait3A_142 = arith.constant 0 : i32
        %dma_wait3A_143 = arith.constant 0 : i32
        %dma_wait3A_144 = tpu.memref_slice %arg10[%dma_wait3A_142, %dma_wait3A_143] : memref<32768x128xf32, #tpu.memory_space<hbm>> -> memref<64x128xf32, #tpu.memory_space<hbm>>
        tpu.wait_dma2 semaphore(%arg28 : memref<!tpu.dma_semaphore, #tpu.memory_space<semaphore_mem>>) src(%arg18 : memref<64x128xf32, #tpu.memory_space<vmem>>) dst(%dma_wait3A_144 : memref<64x128xf32, #tpu.memory_space<hbm>>)
        %dma_wait3A_145 = arith.constant 0 : i32
        %dma_wait3A_146 = arith.constant 0 : i32
        %dma_wait3A_147 = tpu.memref_slice %arg11[%dma_wait3A_145, %dma_wait3A_146] : memref<32768x128xf32, #tpu.memory_space<hbm>> -> memref<64x128xf32, #tpu.memory_space<hbm>>
        %dma_wait3A_148 = arith.constant 0 : i32
        %dma_wait3A_149 = arith.constant 0 : i32
        %dma_wait3A_150 = tpu.memref_slice %arg11[%dma_wait3A_148, %dma_wait3A_149] : memref<32768x128xf32, #tpu.memory_space<hbm>> -> memref<64x128xf32, #tpu.memory_space<hbm>>
        tpu.wait_dma2 semaphore(%arg28 : memref<!tpu.dma_semaphore, #tpu.memory_space<semaphore_mem>>) src(%arg20 : memref<64x128xf32, #tpu.memory_space<vmem>>) dst(%dma_wait3A_150 : memref<64x128xf32, #tpu.memory_space<hbm>>)
        %add3A_151 = arith.constant 1 : i32
        %add3A_152 = arith.addi %add3A_104, %add3A_151 : i32
        %lt3A_153 = arith.constant 16 : i32
        %lt3A_154 = arith.cmpi slt, %add3A_152, %lt3A_153 : i32
        %convert_element_type3A_155 = arith.extui %lt3A_154 : i1 to i32
        %cond3A_156 = arith.constant 0 : i32
        %cond3A_157 = arith.cmpi ne, %convert_element_type3A_155, %cond3A_156 : i32
        scf.if %cond3A_157 {
          %add3A_181 = arith.constant 1 : i32
          %add3A_182 = arith.addi %add3A_104, %add3A_181 : i32
          %mul3A_183 = arith.constant 64 : i32
          %mul3A_184 = arith.muli %add3A_182, %mul3A_183 : i32
          %dma_start3A_185 = tpu.memref_slice %arg14[%mul3A_184] : memref<1024xi32, #tpu.memory_space<vmem>> -> memref<64xi32, #tpu.memory_space<vmem>>
          %dma_start3A_186 = arith.constant 0 : i32
          %dma_start3A_187 = arith.constant 0 : i32
          %dma_start3A_188 = tpu.memref_slice %arg6[%dma_start3A_186, %dma_start3A_187] : memref<100000x128xf32, #tpu.memory_space<hbm>> -> memref<100000x128xf32, #tpu.memory_space<hbm>>
          tpu.enqueue_indirect_dma source(%dma_start3A_188 : memref<100000x128xf32, #tpu.memory_space<hbm>>) target(%arg18 : memref<64x128xf32, #tpu.memory_space<vmem>>) offsets(%dma_start3A_185 : memref<64xi32, #tpu.memory_space<vmem>>) semaphore(%arg27 : memref<!tpu.dma_semaphore, #tpu.memory_space<semaphore_mem>>)
          %mul3A_189 = arith.constant 64 : i32
          %mul3A_190 = arith.muli %add3A_182, %mul3A_189 : i32
          %dma_start3A_191 = tpu.memref_slice %arg15[%mul3A_190] : memref<1024xi32, #tpu.memory_space<vmem>> -> memref<64xi32, #tpu.memory_space<vmem>>
          %dma_start3A_192 = arith.constant 0 : i32
          %dma_start3A_193 = arith.constant 0 : i32
          %dma_start3A_194 = tpu.memref_slice %arg7[%dma_start3A_192, %dma_start3A_193] : memref<100000x128xf32, #tpu.memory_space<hbm>> -> memref<100000x128xf32, #tpu.memory_space<hbm>>
          tpu.enqueue_indirect_dma source(%dma_start3A_194 : memref<100000x128xf32, #tpu.memory_space<hbm>>) target(%arg20 : memref<64x128xf32, #tpu.memory_space<vmem>>) offsets(%dma_start3A_191 : memref<64xi32, #tpu.memory_space<vmem>>) semaphore(%arg27 : memref<!tpu.dma_semaphore, #tpu.memory_space<semaphore_mem>>)
        } else {
        }
        %mul3A_158 = arith.constant 64 : i32
        %mul3A_159 = arith.muli %add3A_104, %mul3A_158 : i32
        %dma_wait3A_160 = tpu.memref_slice %arg14[%mul3A_159] : memref<1024xi32, #tpu.memory_space<vmem>> -> memref<64xi32, #tpu.memory_space<vmem>>
        %dma_wait3A_161 = arith.constant 0 : i32
        %dma_wait3A_162 = arith.constant 0 : i32
        %dma_wait3A_163 = tpu.memref_slice %arg6[%dma_wait3A_161, %dma_wait3A_162] : memref<100000x128xf32, #tpu.memory_space<hbm>> -> memref<100000x128xf32, #tpu.memory_space<hbm>>
        tpu.wait_indirect_dma semaphore(%arg27 : memref<!tpu.dma_semaphore, #tpu.memory_space<semaphore_mem>>) src(%dma_wait3A_163 : memref<100000x128xf32, #tpu.memory_space<hbm>>) dst(%arg19 : memref<64x128xf32, #tpu.memory_space<vmem>>)
        %mul3A_164 = arith.constant 64 : i32
        %mul3A_165 = arith.muli %add3A_104, %mul3A_164 : i32
        %dma_wait3A_166 = tpu.memref_slice %arg15[%mul3A_165] : memref<1024xi32, #tpu.memory_space<vmem>> -> memref<64xi32, #tpu.memory_space<vmem>>
        %dma_wait3A_167 = arith.constant 0 : i32
        %dma_wait3A_168 = arith.constant 0 : i32
        %dma_wait3A_169 = tpu.memref_slice %arg7[%dma_wait3A_167, %dma_wait3A_168] : memref<100000x128xf32, #tpu.memory_space<hbm>> -> memref<100000x128xf32, #tpu.memory_space<hbm>>
        tpu.wait_indirect_dma semaphore(%arg27 : memref<!tpu.dma_semaphore, #tpu.memory_space<semaphore_mem>>) src(%dma_wait3A_169 : memref<100000x128xf32, #tpu.memory_space<hbm>>) dst(%arg21 : memref<64x128xf32, #tpu.memory_space<vmem>>)
        %mul3A_170 = arith.constant 64 : i32
        %mul3A_171 = arith.muli %add3A_104, %mul3A_170 : i32
        %add3A_172 = arith.addi %mul3A_10, %mul3A_171 : i32
        %dma_start3A_173 = arith.constant 0 : i32
        %dma_start3A_174 = tpu.memref_slice %arg10[%add3A_172, %dma_start3A_173] : memref<32768x128xf32, #tpu.memory_space<hbm>> -> memref<64x128xf32, #tpu.memory_space<hbm>>
        %dma_start3A_175 = arith.constant 0 : i32
        %dma_start3A_176 = tpu.memref_slice %arg10[%add3A_172, %dma_start3A_175] : memref<32768x128xf32, #tpu.memory_space<hbm>> -> memref<64x128xf32, #tpu.memory_space<hbm>>
        tpu.enqueue_dma source(%arg19 : memref<64x128xf32, #tpu.memory_space<vmem>>) target(%dma_start3A_176 : memref<64x128xf32, #tpu.memory_space<hbm>>) target_semaphore(%arg28 : memref<!tpu.dma_semaphore, #tpu.memory_space<semaphore_mem>>)
        %dma_start3A_177 = arith.constant 0 : i32
        %dma_start3A_178 = tpu.memref_slice %arg11[%add3A_172, %dma_start3A_177] : memref<32768x128xf32, #tpu.memory_space<hbm>> -> memref<64x128xf32, #tpu.memory_space<hbm>>
        %dma_start3A_179 = arith.constant 0 : i32
        %dma_start3A_180 = tpu.memref_slice %arg11[%add3A_172, %dma_start3A_179] : memref<32768x128xf32, #tpu.memory_space<hbm>> -> memref<64x128xf32, #tpu.memory_space<hbm>>
        tpu.enqueue_dma source(%arg21 : memref<64x128xf32, #tpu.memory_space<vmem>>) target(%dma_start3A_180 : memref<64x128xf32, #tpu.memory_space<hbm>>) target_semaphore(%arg28 : memref<!tpu.dma_semaphore, #tpu.memory_space<semaphore_mem>>)
      } else {
      }
      %lt3A_110 = arith.constant 15 : i32
      %lt3A_111 = arith.cmpi slt, %scan3A_63, %lt3A_110 : i32
      %convert_element_type3A_112 = arith.extui %lt3A_111 : i1 to i32
      %cond3A_113 = arith.constant 0 : i32
      %cond3A_114 = arith.cmpi ne, %convert_element_type3A_112, %cond3A_113 : i32
      scf.if %cond3A_114 {
        %add3A_139 = arith.constant 1 : i32
        %add3A_140 = arith.addi %add3A_104, %add3A_139 : i32
        %mul3A_141 = arith.constant 256 : i32
        %mul3A_142 = arith.muli %add3A_140, %mul3A_141 : i32
        %dma_start3A_143 = tpu.memref_slice %arg16[%mul3A_142] : memref<8192xi32, #tpu.memory_space<vmem>> -> memref<256xi32, #tpu.memory_space<vmem>>
        %dma_start3A_144 = arith.constant 0 : i32
        %dma_start3A_145 = arith.constant 0 : i32
        %dma_start3A_146 = tpu.memref_slice %arg8[%dma_start3A_144, %dma_start3A_145] : memref<100000x128xf32, #tpu.memory_space<hbm>> -> memref<100000x128xf32, #tpu.memory_space<hbm>>
        tpu.enqueue_indirect_dma source(%dma_start3A_146 : memref<100000x128xf32, #tpu.memory_space<hbm>>) target(%arg22 : memref<256x128xf32, #tpu.memory_space<vmem>>) offsets(%dma_start3A_143 : memref<256xi32, #tpu.memory_space<vmem>>) semaphore(%arg29 : memref<!tpu.dma_semaphore, #tpu.memory_space<semaphore_mem>>)
      } else {
      }
      %gt3A_115 = arith.constant 0 : i32
      %gt3A_116 = arith.cmpi sgt, %scan3A_63, %gt3A_115 : i32
      %convert_element_type3A_117 = arith.extui %gt3A_116 : i1 to i32
      %cond3A_118 = arith.constant 0 : i32
      %cond3A_119 = arith.cmpi ne, %convert_element_type3A_117, %cond3A_118 : i32
      scf.if %cond3A_119 {
        %dma_wait3A_139 = arith.constant 0 : i32
        %dma_wait3A_140 = arith.constant 0 : i32
        %dma_wait3A_141 = tpu.memref_slice %arg12[%dma_wait3A_139, %dma_wait3A_140] : memref<32768x128xf32, #tpu.memory_space<hbm>> -> memref<32x128xf32, #tpu.memory_space<hbm>>
        %dma_wait3A_142 = arith.constant 0 : i32
        %dma_wait3A_143 = arith.constant 0 : i32
        %dma_wait3A_144 = tpu.memref_slice %arg12[%dma_wait3A_142, %dma_wait3A_143] : memref<32768x128xf32, #tpu.memory_space<hbm>> -> memref<32x128xf32, #tpu.memory_space<hbm>>
        tpu.wait_dma2 semaphore(%arg30 : memref<!tpu.dma_semaphore, #tpu.memory_space<semaphore_mem>>) src(%arg25 : memref<32x128xf32, #tpu.memory_space<vmem>>) dst(%dma_wait3A_144 : memref<32x128xf32, #tpu.memory_space<hbm>>)
      } else {
      }
      %mul3A_120 = arith.constant 256 : i32
      %mul3A_121 = arith.muli %add3A_104, %mul3A_120 : i32
      %dma_wait3A_122 = tpu.memref_slice %arg16[%mul3A_121] : memref<8192xi32, #tpu.memory_space<vmem>> -> memref<256xi32, #tpu.memory_space<vmem>>
      %dma_wait3A_123 = arith.constant 0 : i32
      %dma_wait3A_124 = arith.constant 0 : i32
      %dma_wait3A_125 = tpu.memref_slice %arg8[%dma_wait3A_123, %dma_wait3A_124] : memref<100000x128xf32, #tpu.memory_space<hbm>> -> memref<100000x128xf32, #tpu.memory_space<hbm>>
      tpu.wait_indirect_dma semaphore(%arg29 : memref<!tpu.dma_semaphore, #tpu.memory_space<semaphore_mem>>) src(%dma_wait3A_125 : memref<100000x128xf32, #tpu.memory_space<hbm>>) dst(%arg23 : memref<256x128xf32, #tpu.memory_space<vmem>>)
      %scan3A_126 = arith.constant 0 : i32
      %scan3A_127 = arith.constant 0 : i32
      %scan3A_128 = arith.constant 32 : i32
      %scan3A_129 = arith.addi %scan3A_127, %scan3A_128 : i32
      %scan3A_130 = arith.constant 1 : i32
      scf.for %scan3A_139 = %scan3A_127 to %scan3A_129 step %scan3A_130  : i32 {
        %mul3A_140 = arith.constant 8 : i32
        %mul3A_141 = arith.muli %scan3A_139, %mul3A_140 : i32
        %get3A = arith.index_cast %mul3A_141 : i32 to index
        %get3A_142 = arith.constant 0 : index
        %get3A_143 = tpu.vector_load %arg23[%get3A, %get3A_142] {strides = array<i32>} : memref<256x128xf32, #tpu.memory_space<vmem>>, vector<1x16xf32>,
        %get3A_144 = vector.shape_cast %get3A_143 : vector<1x16xf32> to vector<16xf32>
        %mul3A_145 = arith.constant 8 : i32
        %mul3A_146 = arith.muli %scan3A_139, %mul3A_145 : i32
        %add3A_147 = arith.constant 1 : i32
        %add3A_148 = arith.addi %mul3A_146, %add3A_147 : i32
        %get3A_149 = arith.index_cast %add3A_148 : i32 to index
        %get3A_150 = arith.constant 0 : index
        %get3A_151 = tpu.vector_load %arg23[%get3A_149, %get3A_150] {strides = array<i32>} : memref<256x128xf32, #tpu.memory_space<vmem>>, vector<1x16xf32>,
        %get3A_152 = vector.shape_cast %get3A_151 : vector<1x16xf32> to vector<16xf32>
        %add3A_153 = arith.addf %get3A_144, %get3A_152 : vector<16xf32>
        %mul3A_154 = arith.constant 8 : i32
        %mul3A_155 = arith.muli %scan3A_139, %mul3A_154 : i32
        %add3A_156 = arith.constant 2 : i32
        %add3A_157 = arith.addi %mul3A_155, %add3A_156 : i32
        %get3A_158 = arith.index_cast %add3A_157 : i32 to index
        %get3A_159 = arith.constant 0 : index
        %get3A_160 = tpu.vector_load %arg23[%get3A_158, %get3A_159] {strides = array<i32>} : memref<256x128xf32, #tpu.memory_space<vmem>>, vector<1x16xf32>,
        %get3A_161 = vector.shape_cast %get3A_160 : vector<1x16xf32> to vector<16xf32>
        %add3A_162 = arith.addf %add3A_153, %get3A_161 : vector<16xf32>
        %mul3A_163 = arith.constant 8 : i32
        %mul3A_164 = arith.muli %scan3A_139, %mul3A_163 : i32
        %add3A_165 = arith.constant 3 : i32
        %add3A_166 = arith.addi %mul3A_164, %add3A_165 : i32
        %get3A_167 = arith.index_cast %add3A_166 : i32 to index
        %get3A_168 = arith.constant 0 : index
        %get3A_169 = tpu.vector_load %arg23[%get3A_167, %get3A_168] {strides = array<i32>} : memref<256x128xf32, #tpu.memory_space<vmem>>, vector<1x16xf32>,
        %get3A_170 = vector.shape_cast %get3A_169 : vector<1x16xf32> to vector<16xf32>
        %add3A_171 = arith.addf %add3A_162, %get3A_170 : vector<16xf32>
        %mul3A_172 = arith.constant 8 : i32
        %mul3A_173 = arith.muli %scan3A_139, %mul3A_172 : i32
        %add3A_174 = arith.constant 4 : i32
        %add3A_175 = arith.addi %mul3A_173, %add3A_174 : i32
        %get3A_176 = arith.index_cast %add3A_175 : i32 to index
        %get3A_177 = arith.constant 0 : index
        %get3A_178 = tpu.vector_load %arg23[%get3A_176, %get3A_177] {strides = array<i32>} : memref<256x128xf32, #tpu.memory_space<vmem>>, vector<1x16xf32>,
        %get3A_179 = vector.shape_cast %get3A_178 : vector<1x16xf32> to vector<16xf32>
        %add3A_180 = arith.addf %add3A_171, %get3A_179 : vector<16xf32>
        %mul3A_181 = arith.constant 8 : i32
        %mul3A_182 = arith.muli %scan3A_139, %mul3A_181 : i32
        %add3A_183 = arith.constant 5 : i32
        %add3A_184 = arith.addi %mul3A_182, %add3A_183 : i32
        %get3A_185 = arith.index_cast %add3A_184 : i32 to index
        %get3A_186 = arith.constant 0 : index
        %get3A_187 = tpu.vector_load %arg23[%get3A_185, %get3A_186] {strides = array<i32>} : memref<256x128xf32, #tpu.memory_space<vmem>>, vector<1x16xf32>,
        %get3A_188 = vector.shape_cast %get3A_187 : vector<1x16xf32> to vector<16xf32>
        %add3A_189 = arith.addf %add3A_180, %get3A_188 : vector<16xf32>
        %mul3A_190 = arith.constant 8 : i32
        %mul3A_191 = arith.muli %scan3A_139, %mul3A_190 : i32
        %add3A_192 = arith.constant 6 : i32
        %add3A_193 = arith.addi %mul3A_191, %add3A_192 : i32
        %get3A_194 = arith.index_cast %add3A_193 : i32 to index
        %get3A_195 = arith.constant 0 : index
        %get3A_196 = tpu.vector_load %arg23[%get3A_194, %get3A_195] {strides = array<i32>} : memref<256x128xf32, #tpu.memory_space<vmem>>, vector<1x16xf32>,
        %get3A_197 = vector.shape_cast %get3A_196 : vector<1x16xf32> to vector<16xf32>
        %add3A_198 = arith.addf %add3A_189, %get3A_197 : vector<16xf32>
        %mul3A_199 = arith.constant 8 : i32
        %mul3A_200 = arith.muli %scan3A_139, %mul3A_199 : i32
        %add3A_201 = arith.constant 7 : i32
        %add3A_202 = arith.addi %mul3A_200, %add3A_201 : i32
        %get3A_203 = arith.index_cast %add3A_202 : i32 to index
        %get3A_204 = arith.constant 0 : index
        %get3A_205 = tpu.vector_load %arg23[%get3A_203, %get3A_204] {strides = array<i32>} : memref<256x128xf32, #tpu.memory_space<vmem>>, vector<1x16xf32>,
        %get3A_206 = vector.shape_cast %get3A_205 : vector<1x16xf32> to vector<16xf32>
        %add3A_207 = arith.addf %add3A_198, %get3A_206 : vector<16xf32>
        %swap3A = arith.index_cast %scan3A_139 : i32 to index
        %swap3A_208 = arith.constant 0 : index
        %swap3A_209 = tpu.vector_load %arg25[%swap3A, %swap3A_208] {strides = array<i32>} : memref<32x128xf32, #tpu.memory_space<vmem>>, vector<1x16xf32>,
        %swap3A_210 = vector.shape_cast %swap3A_209 : vector<1x16xf32> to vector<16xf32>
        %swap3A_211 = vector.shape_cast %add3A_207 : vector<16xf32> to vector<1x16xf32>
        tpu.vector_store %arg25[%swap3A, %swap3A_208], %swap3A_211 {strides = array<i32>} : memref<32x128xf32, #tpu.memory_space<vmem>>, vector<1x16xf32>,
        %mul3A_212 = arith.constant 8 : i32
        %mul3A_213 = arith.muli %scan3A_139, %mul3A_212 : i32
        %get3A_214 = arith.index_cast %mul3A_213 : i32 to index
        %get3A_215 = arith.constant 16 : index
        %get3A_216 = tpu.vector_load %arg23[%get3A_214, %get3A_215] {strides = array<i32>} : memref<256x128xf32, #tpu.memory_space<vmem>>, vector<1x16xf32>,
        %get3A_217 = vector.shape_cast %get3A_216 : vector<1x16xf32> to vector<16xf32>
        %mul3A_218 = arith.constant 8 : i32
        %mul3A_219 = arith.muli %scan3A_139, %mul3A_218 : i32
        %add3A_220 = arith.constant 1 : i32
        %add3A_221 = arith.addi %mul3A_219, %add3A_220 : i32
        %get3A_222 = arith.index_cast %add3A_221 : i32 to index
        %get3A_223 = arith.constant 16 : index
        %get3A_224 = tpu.vector_load %arg23[%get3A_222, %get3A_223] {strides = array<i32>} : memref<256x128xf32, #tpu.memory_space<vmem>>, vector<1x16xf32>,
        %get3A_225 = vector.shape_cast %get3A_224 : vector<1x16xf32> to vector<16xf32>
        %add3A_226 = arith.addf %get3A_217, %get3A_225 : vector<16xf32>
        %mul3A_227 = arith.constant 8 : i32
        %mul3A_228 = arith.muli %scan3A_139, %mul3A_227 : i32
        %add3A_229 = arith.constant 2 : i32
        %add3A_230 = arith.addi %mul3A_228, %add3A_229 : i32
        %get3A_231 = arith.index_cast %add3A_230 : i32 to index
        %get3A_232 = arith.constant 16 : index
        %get3A_233 = tpu.vector_load %arg23[%get3A_231, %get3A_232] {strides = array<i32>} : memref<256x128xf32, #tpu.memory_space<vmem>>, vector<1x16xf32>,
        %get3A_234 = vector.shape_cast %get3A_233 : vector<1x16xf32> to vector<16xf32>
        %add3A_235 = arith.addf %add3A_226, %get3A_234 : vector<16xf32>
        %mul3A_236 = arith.constant 8 : i32
        %mul3A_237 = arith.muli %scan3A_139, %mul3A_236 : i32
        %add3A_238 = arith.constant 3 : i32
        %add3A_239 = arith.addi %mul3A_237, %add3A_238 : i32
        %get3A_240 = arith.index_cast %add3A_239 : i32 to index
        %get3A_241 = arith.constant 16 : index
        %get3A_242 = tpu.vector_load %arg23[%get3A_240, %get3A_241] {strides = array<i32>} : memref<256x128xf32, #tpu.memory_space<vmem>>, vector<1x16xf32>,
        %get3A_243 = vector.shape_cast %get3A_242 : vector<1x16xf32> to vector<16xf32>
        %add3A_244 = arith.addf %add3A_235, %get3A_243 : vector<16xf32>
        %mul3A_245 = arith.constant 8 : i32
        %mul3A_246 = arith.muli %scan3A_139, %mul3A_245 : i32
        %add3A_247 = arith.constant 4 : i32
        %add3A_248 = arith.addi %mul3A_246, %add3A_247 : i32
        %get3A_249 = arith.index_cast %add3A_248 : i32 to index
        %get3A_250 = arith.constant 16 : index
        %get3A_251 = tpu.vector_load %arg23[%get3A_249, %get3A_250] {strides = array<i32>} : memref<256x128xf32, #tpu.memory_space<vmem>>, vector<1x16xf32>,
        %get3A_252 = vector.shape_cast %get3A_251 : vector<1x16xf32> to vector<16xf32>
        %add3A_253 = arith.addf %add3A_244, %get3A_252 : vector<16xf32>
        %mul3A_254 = arith.constant 8 : i32
        %mul3A_255 = arith.muli %scan3A_139, %mul3A_254 : i32
        %add3A_256 = arith.constant 5 : i32
        %add3A_257 = arith.addi %mul3A_255, %add3A_256 : i32
        %get3A_258 = arith.index_cast %add3A_257 : i32 to index
        %get3A_259 = arith.constant 16 : index
        %get3A_260 = tpu.vector_load %arg23[%get3A_258, %get3A_259] {strides = array<i32>} : memref<256x128xf32, #tpu.memory_space<vmem>>, vector<1x16xf32>,
        %get3A_261 = vector.shape_cast %get3A_260 : vector<1x16xf32> to vector<16xf32>
        %add3A_262 = arith.addf %add3A_253, %get3A_261 : vector<16xf32>
        %mul3A_263 = arith.constant 8 : i32
        %mul3A_264 = arith.muli %scan3A_139, %mul3A_263 : i32
        %add3A_265 = arith.constant 6 : i32
        %add3A_266 = arith.addi %mul3A_264, %add3A_265 : i32
        %get3A_267 = arith.index_cast %add3A_266 : i32 to index
        %get3A_268 = arith.constant 16 : index
        %get3A_269 = tpu.vector_load %arg23[%get3A_267, %get3A_268] {strides = array<i32>} : memref<256x128xf32, #tpu.memory_space<vmem>>, vector<1x16xf32>,
        %get3A_270 = vector.shape_cast %get3A_269 : vector<1x16xf32> to vector<16xf32>
        %add3A_271 = arith.addf %add3A_262, %get3A_270 : vector<16xf32>
        %mul3A_272 = arith.constant 8 : i32
        %mul3A_273 = arith.muli %scan3A_139, %mul3A_272 : i32
        %add3A_274 = arith.constant 7 : i32
        %add3A_275 = arith.addi %mul3A_273, %add3A_274 : i32
        %get3A_276 = arith.index_cast %add3A_275 : i32 to index
        %get3A_277 = arith.constant 16 : index
        %get3A_278 = tpu.vector_load %arg23[%get3A_276, %get3A_277] {strides = array<i32>} : memref<256x128xf32, #tpu.memory_space<vmem>>, vector<1x16xf32>,
        %get3A_279 = vector.shape_cast %get3A_278 : vector<1x16xf32> to vector<16xf32>
        %add3A_280 = arith.addf %add3A_271, %get3A_279 : vector<16xf32>
        %swap3A_281 = arith.index_cast %scan3A_139 : i32 to index
        %swap3A_282 = arith.constant 16 : index
        %swap3A_283 = tpu.vector_load %arg25[%swap3A_281, %swap3A_282] {strides = array<i32>} : memref<32x128xf32, #tpu.memory_space<vmem>>, vector<1x16xf32>,
        %swap3A_284 = vector.shape_cast %swap3A_283 : vector<1x16xf32> to vector<16xf32>
        %swap3A_285 = vector.shape_cast %add3A_280 : vector<16xf32> to vector<1x16xf32>
        tpu.vector_store %arg25[%swap3A_281, %swap3A_282], %swap3A_285 {strides = array<i32>} : memref<32x128xf32, #tpu.memory_space<vmem>>, vector<1x16xf32>,
        %mul3A_286 = arith.constant 8 : i32
        %mul3A_287 = arith.muli %scan3A_139, %mul3A_286 : i32
        %get3A_288 = arith.index_cast %mul3A_287 : i32 to index
        %get3A_289 = arith.constant 32 : index
        %get3A_290 = tpu.vector_load %arg23[%get3A_288, %get3A_289] {strides = array<i32>} : memref<256x128xf32, #tpu.memory_space<vmem>>, vector<1x16xf32>,
        %get3A_291 = vector.shape_cast %get3A_290 : vector<1x16xf32> to vector<16xf32>
        %mul3A_292 = arith.constant 8 : i32
        %mul3A_293 = arith.muli %scan3A_139, %mul3A_292 : i32
        %add3A_294 = arith.constant 1 : i32
        %add3A_295 = arith.addi %mul3A_293, %add3A_294 : i32
        %get3A_296 = arith.index_cast %add3A_295 : i32 to index
        %get3A_297 = arith.constant 32 : index
        %get3A_298 = tpu.vector_load %arg23[%get3A_296, %get3A_297] {strides = array<i32>} : memref<256x128xf32, #tpu.memory_space<vmem>>, vector<1x16xf32>,
        %get3A_299 = vector.shape_cast %get3A_298 : vector<1x16xf32> to vector<16xf32>
        %add3A_300 = arith.addf %get3A_291, %get3A_299 : vector<16xf32>
        %mul3A_301 = arith.constant 8 : i32
        %mul3A_302 = arith.muli %scan3A_139, %mul3A_301 : i32
        %add3A_303 = arith.constant 2 : i32
        %add3A_304 = arith.addi %mul3A_302, %add3A_303 : i32
        %get3A_305 = arith.index_cast %add3A_304 : i32 to index
        %get3A_306 = arith.constant 32 : index
        %get3A_307 = tpu.vector_load %arg23[%get3A_305, %get3A_306] {strides = array<i32>} : memref<256x128xf32, #tpu.memory_space<vmem>>, vector<1x16xf32>,
        %get3A_308 = vector.shape_cast %get3A_307 : vector<1x16xf32> to vector<16xf32>
        %add3A_309 = arith.addf %add3A_300, %get3A_308 : vector<16xf32>
        %mul3A_310 = arith.constant 8 : i32
        %mul3A_311 = arith.muli %scan3A_139, %mul3A_310 : i32
        %add3A_312 = arith.constant 3 : i32
        %add3A_313 = arith.addi %mul3A_311, %add3A_312 : i32
        %get3A_314 = arith.index_cast %add3A_313 : i32 to index
        %get3A_315 = arith.constant 32 : index
        %get3A_316 = tpu.vector_load %arg23[%get3A_314, %get3A_315] {strides = array<i32>} : memref<256x128xf32, #tpu.memory_space<vmem>>, vector<1x16xf32>,
        %get3A_317 = vector.shape_cast %get3A_316 : vector<1x16xf32> to vector<16xf32>
        %add3A_318 = arith.addf %add3A_309, %get3A_317 : vector<16xf32>
        %mul3A_319 = arith.constant 8 : i32
        %mul3A_320 = arith.muli %scan3A_139, %mul3A_319 : i32
        %add3A_321 = arith.constant 4 : i32
        %add3A_322 = arith.addi %mul3A_320, %add3A_321 : i32
        %get3A_323 = arith.index_cast %add3A_322 : i32 to index
        %get3A_324 = arith.constant 32 : index
        %get3A_325 = tpu.vector_load %arg23[%get3A_323, %get3A_324] {strides = array<i32>} : memref<256x128xf32, #tpu.memory_space<vmem>>, vector<1x16xf32>,
        %get3A_326 = vector.shape_cast %get3A_325 : vector<1x16xf32> to vector<16xf32>
        %add3A_327 = arith.addf %add3A_318, %get3A_326 : vector<16xf32>
        %mul3A_328 = arith.constant 8 : i32
        %mul3A_329 = arith.muli %scan3A_139, %mul3A_328 : i32
        %add3A_330 = arith.constant 5 : i32
        %add3A_331 = arith.addi %mul3A_329, %add3A_330 : i32
        %get3A_332 = arith.index_cast %add3A_331 : i32 to index
        %get3A_333 = arith.constant 32 : index
        %get3A_334 = tpu.vector_load %arg23[%get3A_332, %get3A_333] {strides = array<i32>} : memref<256x128xf32, #tpu.memory_space<vmem>>, vector<1x16xf32>,
        %get3A_335 = vector.shape_cast %get3A_334 : vector<1x16xf32> to vector<16xf32>
        %add3A_336 = arith.addf %add3A_327, %get3A_335 : vector<16xf32>
        %mul3A_337 = arith.constant 8 : i32
        %mul3A_338 = arith.muli %scan3A_139, %mul3A_337 : i32
        %add3A_339 = arith.constant 6 : i32
        %add3A_340 = arith.addi %mul3A_338, %add3A_339 : i32
        %get3A_341 = arith.index_cast %add3A_340 : i32 to index
        %get3A_342 = arith.constant 32 : index
        %get3A_343 = tpu.vector_load %arg23[%get3A_341, %get3A_342] {strides = array<i32>} : memref<256x128xf32, #tpu.memory_space<vmem>>, vector<1x16xf32>,
        %get3A_344 = vector.shape_cast %get3A_343 : vector<1x16xf32> to vector<16xf32>
        %add3A_345 = arith.addf %add3A_336, %get3A_344 : vector<16xf32>
        %mul3A_346 = arith.constant 8 : i32
        %mul3A_347 = arith.muli %scan3A_139, %mul3A_346 : i32
        %add3A_348 = arith.constant 7 : i32
        %add3A_349 = arith.addi %mul3A_347, %add3A_348 : i32
        %get3A_350 = arith.index_cast %add3A_349 : i32 to index
        %get3A_351 = arith.constant 32 : index
        %get3A_352 = tpu.vector_load %arg23[%get3A_350, %get3A_351] {strides = array<i32>} : memref<256x128xf32, #tpu.memory_space<vmem>>, vector<1x16xf32>,
        %get3A_353 = vector.shape_cast %get3A_352 : vector<1x16xf32> to vector<16xf32>
        %add3A_354 = arith.addf %add3A_345, %get3A_353 : vector<16xf32>
        %swap3A_355 = arith.index_cast %scan3A_139 : i32 to index
        %swap3A_356 = arith.constant 32 : index
        %swap3A_357 = tpu.vector_load %arg25[%swap3A_355, %swap3A_356] {strides = array<i32>} : memref<32x128xf32, #tpu.memory_space<vmem>>, vector<1x16xf32>,
        %swap3A_358 = vector.shape_cast %swap3A_357 : vector<1x16xf32> to vector<16xf32>
        %swap3A_359 = vector.shape_cast %add3A_354 : vector<16xf32> to vector<1x16xf32>
        tpu.vector_store %arg25[%swap3A_355, %swap3A_356], %swap3A_359 {strides = array<i32>} : memref<32x128xf32, #tpu.memory_space<vmem>>, vector<1x16xf32>,
        %mul3A_360 = arith.constant 8 : i32
        %mul3A_361 = arith.muli %scan3A_139, %mul3A_360 : i32
        %get3A_362 = arith.index_cast %mul3A_361 : i32 to index
        %get3A_363 = arith.constant 48 : index
        %get3A_364 = tpu.vector_load %arg23[%get3A_362, %get3A_363] {strides = array<i32>} : memref<256x128xf32, #tpu.memory_space<vmem>>, vector<1x16xf32>,
        %get3A_365 = vector.shape_cast %get3A_364 : vector<1x16xf32> to vector<16xf32>
        %mul3A_366 = arith.constant 8 : i32
        %mul3A_367 = arith.muli %scan3A_139, %mul3A_366 : i32
        %add3A_368 = arith.constant 1 : i32
        %add3A_369 = arith.addi %mul3A_367, %add3A_368 : i32
        %get3A_370 = arith.index_cast %add3A_369 : i32 to index
        %get3A_371 = arith.constant 48 : index
        %get3A_372 = tpu.vector_load %arg23[%get3A_370, %get3A_371] {strides = array<i32>} : memref<256x128xf32, #tpu.memory_space<vmem>>, vector<1x16xf32>,
        %get3A_373 = vector.shape_cast %get3A_372 : vector<1x16xf32> to vector<16xf32>
        %add3A_374 = arith.addf %get3A_365, %get3A_373 : vector<16xf32>
        %mul3A_375 = arith.constant 8 : i32
        %mul3A_376 = arith.muli %scan3A_139, %mul3A_375 : i32
        %add3A_377 = arith.constant 2 : i32
        %add3A_378 = arith.addi %mul3A_376, %add3A_377 : i32
        %get3A_379 = arith.index_cast %add3A_378 : i32 to index
        %get3A_380 = arith.constant 48 : index
        %get3A_381 = tpu.vector_load %arg23[%get3A_379, %get3A_380] {strides = array<i32>} : memref<256x128xf32, #tpu.memory_space<vmem>>, vector<1x16xf32>,
        %get3A_382 = vector.shape_cast %get3A_381 : vector<1x16xf32> to vector<16xf32>
        %add3A_383 = arith.addf %add3A_374, %get3A_382 : vector<16xf32>
        %mul3A_384 = arith.constant 8 : i32
        %mul3A_385 = arith.muli %scan3A_139, %mul3A_384 : i32
        %add3A_386 = arith.constant 3 : i32
        %add3A_387 = arith.addi %mul3A_385, %add3A_386 : i32
        %get3A_388 = arith.index_cast %add3A_387 : i32 to index
        %get3A_389 = arith.constant 48 : index
        %get3A_390 = tpu.vector_load %arg23[%get3A_388, %get3A_389] {strides = array<i32>} : memref<256x128xf32, #tpu.memory_space<vmem>>, vector<1x16xf32>,
        %get3A_391 = vector.shape_cast %get3A_390 : vector<1x16xf32> to vector<16xf32>
        %add3A_392 = arith.addf %add3A_383, %get3A_391 : vector<16xf32>
        %mul3A_393 = arith.constant 8 : i32
        %mul3A_394 = arith.muli %scan3A_139, %mul3A_393 : i32
        %add3A_395 = arith.constant 4 : i32
        %add3A_396 = arith.addi %mul3A_394, %add3A_395 : i32
        %get3A_397 = arith.index_cast %add3A_396 : i32 to index
        %get3A_398 = arith.constant 48 : index
        %get3A_399 = tpu.vector_load %arg23[%get3A_397, %get3A_398] {strides = array<i32>} : memref<256x128xf32, #tpu.memory_space<vmem>>, vector<1x16xf32>,
        %get3A_400 = vector.shape_cast %get3A_399 : vector<1x16xf32> to vector<16xf32>
        %add3A_401 = arith.addf %add3A_392, %get3A_400 : vector<16xf32>
        %mul3A_402 = arith.constant 8 : i32
        %mul3A_403 = arith.muli %scan3A_139, %mul3A_402 : i32
        %add3A_404 = arith.constant 5 : i32
        %add3A_405 = arith.addi %mul3A_403, %add3A_404 : i32
        %get3A_406 = arith.index_cast %add3A_405 : i32 to index
        %get3A_407 = arith.constant 48 : index
        %get3A_408 = tpu.vector_load %arg23[%get3A_406, %get3A_407] {strides = array<i32>} : memref<256x128xf32, #tpu.memory_space<vmem>>, vector<1x16xf32>,
        %get3A_409 = vector.shape_cast %get3A_408 : vector<1x16xf32> to vector<16xf32>
        %add3A_410 = arith.addf %add3A_401, %get3A_409 : vector<16xf32>
        %mul3A_411 = arith.constant 8 : i32
        %mul3A_412 = arith.muli %scan3A_139, %mul3A_411 : i32
        %add3A_413 = arith.constant 6 : i32
        %add3A_414 = arith.addi %mul3A_412, %add3A_413 : i32
        %get3A_415 = arith.index_cast %add3A_414 : i32 to index
        %get3A_416 = arith.constant 48 : index
        %get3A_417 = tpu.vector_load %arg23[%get3A_415, %get3A_416] {strides = array<i32>} : memref<256x128xf32, #tpu.memory_space<vmem>>, vector<1x16xf32>,
        %get3A_418 = vector.shape_cast %get3A_417 : vector<1x16xf32> to vector<16xf32>
        %add3A_419 = arith.addf %add3A_410, %get3A_418 : vector<16xf32>
        %mul3A_420 = arith.constant 8 : i32
        %mul3A_421 = arith.muli %scan3A_139, %mul3A_420 : i32
        %add3A_422 = arith.constant 7 : i32
        %add3A_423 = arith.addi %mul3A_421, %add3A_422 : i32
        %get3A_424 = arith.index_cast %add3A_423 : i32 to index
        %get3A_425 = arith.constant 48 : index
        %get3A_426 = tpu.vector_load %arg23[%get3A_424, %get3A_425] {strides = array<i32>} : memref<256x128xf32, #tpu.memory_space<vmem>>, vector<1x16xf32>,
        %get3A_427 = vector.shape_cast %get3A_426 : vector<1x16xf32> to vector<16xf32>
        %add3A_428 = arith.addf %add3A_419, %get3A_427 : vector<16xf32>
        %swap3A_429 = arith.index_cast %scan3A_139 : i32 to index
        %swap3A_430 = arith.constant 48 : index
        %swap3A_431 = tpu.vector_load %arg25[%swap3A_429, %swap3A_430] {strides = array<i32>} : memref<32x128xf32, #tpu.memory_space<vmem>>, vector<1x16xf32>,
        %swap3A_432 = vector.shape_cast %swap3A_431 : vector<1x16xf32> to vector<16xf32>
        %swap3A_433 = vector.shape_cast %add3A_428 : vector<16xf32> to vector<1x16xf32>
        tpu.vector_store %arg25[%swap3A_429, %swap3A_430], %swap3A_433 {strides = array<i32>} : memref<32x128xf32, #tpu.memory_space<vmem>>, vector<1x16xf32>,
        %mul3A_434 = arith.constant 8 : i32
        %mul3A_435 = arith.muli %scan3A_139, %mul3A_434 : i32
        %get3A_436 = arith.index_cast %mul3A_435 : i32 to index
        %get3A_437 = arith.constant 64 : index
        %get3A_438 = tpu.vector_load %arg23[%get3A_436, %get3A_437] {strides = array<i32>} : memref<256x128xf32, #tpu.memory_space<vmem>>, vector<1x16xf32>,
        %get3A_439 = vector.shape_cast %get3A_438 : vector<1x16xf32> to vector<16xf32>
        %mul3A_440 = arith.constant 8 : i32
        %mul3A_441 = arith.muli %scan3A_139, %mul3A_440 : i32
        %add3A_442 = arith.constant 1 : i32
        %add3A_443 = arith.addi %mul3A_441, %add3A_442 : i32
        %get3A_444 = arith.index_cast %add3A_443 : i32 to index
        %get3A_445 = arith.constant 64 : index
        %get3A_446 = tpu.vector_load %arg23[%get3A_444, %get3A_445] {strides = array<i32>} : memref<256x128xf32, #tpu.memory_space<vmem>>, vector<1x16xf32>,
        %get3A_447 = vector.shape_cast %get3A_446 : vector<1x16xf32> to vector<16xf32>
        %add3A_448 = arith.addf %get3A_439, %get3A_447 : vector<16xf32>
        %mul3A_449 = arith.constant 8 : i32
        %mul3A_450 = arith.muli %scan3A_139, %mul3A_449 : i32
        %add3A_451 = arith.constant 2 : i32
        %add3A_452 = arith.addi %mul3A_450, %add3A_451 : i32
        %get3A_453 = arith.index_cast %add3A_452 : i32 to index
        %get3A_454 = arith.constant 64 : index
        %get3A_455 = tpu.vector_load %arg23[%get3A_453, %get3A_454] {strides = array<i32>} : memref<256x128xf32, #tpu.memory_space<vmem>>, vector<1x16xf32>,
        %get3A_456 = vector.shape_cast %get3A_455 : vector<1x16xf32> to vector<16xf32>
        %add3A_457 = arith.addf %add3A_448, %get3A_456 : vector<16xf32>
        %mul3A_458 = arith.constant 8 : i32
        %mul3A_459 = arith.muli %scan3A_139, %mul3A_458 : i32
        %add3A_460 = arith.constant 3 : i32
        %add3A_461 = arith.addi %mul3A_459, %add3A_460 : i32
        %get3A_462 = arith.index_cast %add3A_461 : i32 to index
        %get3A_463 = arith.constant 64 : index
        %get3A_464 = tpu.vector_load %arg23[%get3A_462, %get3A_463] {strides = array<i32>} : memref<256x128xf32, #tpu.memory_space<vmem>>, vector<1x16xf32>,
        %get3A_465 = vector.shape_cast %get3A_464 : vector<1x16xf32> to vector<16xf32>
        %add3A_466 = arith.addf %add3A_457, %get3A_465 : vector<16xf32>
        %mul3A_467 = arith.constant 8 : i32
        %mul3A_468 = arith.muli %scan3A_139, %mul3A_467 : i32
        %add3A_469 = arith.constant 4 : i32
        %add3A_470 = arith.addi %mul3A_468, %add3A_469 : i32
        %get3A_471 = arith.index_cast %add3A_470 : i32 to index
        %get3A_472 = arith.constant 64 : index
        %get3A_473 = tpu.vector_load %arg23[%get3A_471, %get3A_472] {strides = array<i32>} : memref<256x128xf32, #tpu.memory_space<vmem>>, vector<1x16xf32>,
        %get3A_474 = vector.shape_cast %get3A_473 : vector<1x16xf32> to vector<16xf32>
        %add3A_475 = arith.addf %add3A_466, %get3A_474 : vector<16xf32>
        %mul3A_476 = arith.constant 8 : i32
        %mul3A_477 = arith.muli %scan3A_139, %mul3A_476 : i32
        %add3A_478 = arith.constant 5 : i32
        %add3A_479 = arith.addi %mul3A_477, %add3A_478 : i32
        %get3A_480 = arith.index_cast %add3A_479 : i32 to index
        %get3A_481 = arith.constant 64 : index
        %get3A_482 = tpu.vector_load %arg23[%get3A_480, %get3A_481] {strides = array<i32>} : memref<256x128xf32, #tpu.memory_space<vmem>>, vector<1x16xf32>,
        %get3A_483 = vector.shape_cast %get3A_482 : vector<1x16xf32> to vector<16xf32>
        %add3A_484 = arith.addf %add3A_475, %get3A_483 : vector<16xf32>
        %mul3A_485 = arith.constant 8 : i32
        %mul3A_486 = arith.muli %scan3A_139, %mul3A_485 : i32
        %add3A_487 = arith.constant 6 : i32
        %add3A_488 = arith.addi %mul3A_486, %add3A_487 : i32
        %get3A_489 = arith.index_cast %add3A_488 : i32 to index
        %get3A_490 = arith.constant 64 : index
        %get3A_491 = tpu.vector_load %arg23[%get3A_489, %get3A_490] {strides = array<i32>} : memref<256x128xf32, #tpu.memory_space<vmem>>, vector<1x16xf32>,
        %get3A_492 = vector.shape_cast %get3A_491 : vector<1x16xf32> to vector<16xf32>
        %add3A_493 = arith.addf %add3A_484, %get3A_492 : vector<16xf32>
        %mul3A_494 = arith.constant 8 : i32
        %mul3A_495 = arith.muli %scan3A_139, %mul3A_494 : i32
        %add3A_496 = arith.constant 7 : i32
        %add3A_497 = arith.addi %mul3A_495, %add3A_496 : i32
        %get3A_498 = arith.index_cast %add3A_497 : i32 to index
        %get3A_499 = arith.constant 64 : index
        %get3A_500 = tpu.vector_load %arg23[%get3A_498, %get3A_499] {strides = array<i32>} : memref<256x128xf32, #tpu.memory_space<vmem>>, vector<1x16xf32>,
        %get3A_501 = vector.shape_cast %get3A_500 : vector<1x16xf32> to vector<16xf32>
        %add3A_502 = arith.addf %add3A_493, %get3A_501 : vector<16xf32>
        %swap3A_503 = arith.index_cast %scan3A_139 : i32 to index
        %swap3A_504 = arith.constant 64 : index
        %swap3A_505 = tpu.vector_load %arg25[%swap3A_503, %swap3A_504] {strides = array<i32>} : memref<32x128xf32, #tpu.memory_space<vmem>>, vector<1x16xf32>,
        %swap3A_506 = vector.shape_cast %swap3A_505 : vector<1x16xf32> to vector<16xf32>
        %swap3A_507 = vector.shape_cast %add3A_502 : vector<16xf32> to vector<1x16xf32>
        tpu.vector_store %arg25[%swap3A_503, %swap3A_504], %swap3A_507 {strides = array<i32>} : memref<32x128xf32, #tpu.memory_space<vmem>>, vector<1x16xf32>,
        %mul3A_508 = arith.constant 8 : i32
        %mul3A_509 = arith.muli %scan3A_139, %mul3A_508 : i32
        %get3A_510 = arith.index_cast %mul3A_509 : i32 to index
        %get3A_511 = arith.constant 80 : index
        %get3A_512 = tpu.vector_load %arg23[%get3A_510, %get3A_511] {strides = array<i32>} : memref<256x128xf32, #tpu.memory_space<vmem>>, vector<1x16xf32>,
        %get3A_513 = vector.shape_cast %get3A_512 : vector<1x16xf32> to vector<16xf32>
        %mul3A_514 = arith.constant 8 : i32
        %mul3A_515 = arith.muli %scan3A_139, %mul3A_514 : i32
        %add3A_516 = arith.constant 1 : i32
        %add3A_517 = arith.addi %mul3A_515, %add3A_516 : i32
        %get3A_518 = arith.index_cast %add3A_517 : i32 to index
        %get3A_519 = arith.constant 80 : index
        %get3A_520 = tpu.vector_load %arg23[%get3A_518, %get3A_519] {strides = array<i32>} : memref<256x128xf32, #tpu.memory_space<vmem>>, vector<1x16xf32>,
        %get3A_521 = vector.shape_cast %get3A_520 : vector<1x16xf32> to vector<16xf32>
        %add3A_522 = arith.addf %get3A_513, %get3A_521 : vector<16xf32>
        %mul3A_523 = arith.constant 8 : i32
        %mul3A_524 = arith.muli %scan3A_139, %mul3A_523 : i32
        %add3A_525 = arith.constant 2 : i32
        %add3A_526 = arith.addi %mul3A_524, %add3A_525 : i32
        %get3A_527 = arith.index_cast %add3A_526 : i32 to index
        %get3A_528 = arith.constant 80 : index
        %get3A_529 = tpu.vector_load %arg23[%get3A_527, %get3A_528] {strides = array<i32>} : memref<256x128xf32, #tpu.memory_space<vmem>>, vector<1x16xf32>,
        %get3A_530 = vector.shape_cast %get3A_529 : vector<1x16xf32> to vector<16xf32>
        %add3A_531 = arith.addf %add3A_522, %get3A_530 : vector<16xf32>
        %mul3A_532 = arith.constant 8 : i32
        %mul3A_533 = arith.muli %scan3A_139, %mul3A_532 : i32
        %add3A_534 = arith.constant 3 : i32
        %add3A_535 = arith.addi %mul3A_533, %add3A_534 : i32
        %get3A_536 = arith.index_cast %add3A_535 : i32 to index
        %get3A_537 = arith.constant 80 : index
        %get3A_538 = tpu.vector_load %arg23[%get3A_536, %get3A_537] {strides = array<i32>} : memref<256x128xf32, #tpu.memory_space<vmem>>, vector<1x16xf32>,
        %get3A_539 = vector.shape_cast %get3A_538 : vector<1x16xf32> to vector<16xf32>
        %add3A_540 = arith.addf %add3A_531, %get3A_539 : vector<16xf32>
        %mul3A_541 = arith.constant 8 : i32
        %mul3A_542 = arith.muli %scan3A_139, %mul3A_541 : i32
        %add3A_543 = arith.constant 4 : i32
        %add3A_544 = arith.addi %mul3A_542, %add3A_543 : i32
        %get3A_545 = arith.index_cast %add3A_544 : i32 to index
        %get3A_546 = arith.constant 80 : index
        %get3A_547 = tpu.vector_load %arg23[%get3A_545, %get3A_546] {strides = array<i32>} : memref<256x128xf32, #tpu.memory_space<vmem>>, vector<1x16xf32>,
        %get3A_548 = vector.shape_cast %get3A_547 : vector<1x16xf32> to vector<16xf32>
        %add3A_549 = arith.addf %add3A_540, %get3A_548 : vector<16xf32>
        %mul3A_550 = arith.constant 8 : i32
        %mul3A_551 = arith.muli %scan3A_139, %mul3A_550 : i32
        %add3A_552 = arith.constant 5 : i32
        %add3A_553 = arith.addi %mul3A_551, %add3A_552 : i32
        %get3A_554 = arith.index_cast %add3A_553 : i32 to index
        %get3A_555 = arith.constant 80 : index
        %get3A_556 = tpu.vector_load %arg23[%get3A_554, %get3A_555] {strides = array<i32>} : memref<256x128xf32, #tpu.memory_space<vmem>>, vector<1x16xf32>,
        %get3A_557 = vector.shape_cast %get3A_556 : vector<1x16xf32> to vector<16xf32>
        %add3A_558 = arith.addf %add3A_549, %get3A_557 : vector<16xf32>
        %mul3A_559 = arith.constant 8 : i32
        %mul3A_560 = arith.muli %scan3A_139, %mul3A_559 : i32
        %add3A_561 = arith.constant 6 : i32
        %add3A_562 = arith.addi %mul3A_560, %add3A_561 : i32
        %get3A_563 = arith.index_cast %add3A_562 : i32 to index
        %get3A_564 = arith.constant 80 : index
        %get3A_565 = tpu.vector_load %arg23[%get3A_563, %get3A_564] {strides = array<i32>} : memref<256x128xf32, #tpu.memory_space<vmem>>, vector<1x16xf32>,
        %get3A_566 = vector.shape_cast %get3A_565 : vector<1x16xf32> to vector<16xf32>
        %add3A_567 = arith.addf %add3A_558, %get3A_566 : vector<16xf32>
        %mul3A_568 = arith.constant 8 : i32
        %mul3A_569 = arith.muli %scan3A_139, %mul3A_568 : i32
        %add3A_570 = arith.constant 7 : i32
        %add3A_571 = arith.addi %mul3A_569, %add3A_570 : i32
        %get3A_572 = arith.index_cast %add3A_571 : i32 to index
        %get3A_573 = arith.constant 80 : index
        %get3A_574 = tpu.vector_load %arg23[%get3A_572, %get3A_573] {strides = array<i32>} : memref<256x128xf32, #tpu.memory_space<vmem>>, vector<1x16xf32>,
        %get3A_575 = vector.shape_cast %get3A_574 : vector<1x16xf32> to vector<16xf32>
        %add3A_576 = arith.addf %add3A_567, %get3A_575 : vector<16xf32>
        %swap3A_577 = arith.index_cast %scan3A_139 : i32 to index
        %swap3A_578 = arith.constant 80 : index
        %swap3A_579 = tpu.vector_load %arg25[%swap3A_577, %swap3A_578] {strides = array<i32>} : memref<32x128xf32, #tpu.memory_space<vmem>>, vector<1x16xf32>,
        %swap3A_580 = vector.shape_cast %swap3A_579 : vector<1x16xf32> to vector<16xf32>
        %swap3A_581 = vector.shape_cast %add3A_576 : vector<16xf32> to vector<1x16xf32>
        tpu.vector_store %arg25[%swap3A_577, %swap3A_578], %swap3A_581 {strides = array<i32>} : memref<32x128xf32, #tpu.memory_space<vmem>>, vector<1x16xf32>,
        %mul3A_582 = arith.constant 8 : i32
        %mul3A_583 = arith.muli %scan3A_139, %mul3A_582 : i32
        %get3A_584 = arith.index_cast %mul3A_583 : i32 to index
        %get3A_585 = arith.constant 96 : index
        %get3A_586 = tpu.vector_load %arg23[%get3A_584, %get3A_585] {strides = array<i32>} : memref<256x128xf32, #tpu.memory_space<vmem>>, vector<1x16xf32>,
        %get3A_587 = vector.shape_cast %get3A_586 : vector<1x16xf32> to vector<16xf32>
        %mul3A_588 = arith.constant 8 : i32
        %mul3A_589 = arith.muli %scan3A_139, %mul3A_588 : i32
        %add3A_590 = arith.constant 1 : i32
        %add3A_591 = arith.addi %mul3A_589, %add3A_590 : i32
        %get3A_592 = arith.index_cast %add3A_591 : i32 to index
        %get3A_593 = arith.constant 96 : index
        %get3A_594 = tpu.vector_load %arg23[%get3A_592, %get3A_593] {strides = array<i32>} : memref<256x128xf32, #tpu.memory_space<vmem>>, vector<1x16xf32>,
        %get3A_595 = vector.shape_cast %get3A_594 : vector<1x16xf32> to vector<16xf32>
        %add3A_596 = arith.addf %get3A_587, %get3A_595 : vector<16xf32>
        %mul3A_597 = arith.constant 8 : i32
        %mul3A_598 = arith.muli %scan3A_139, %mul3A_597 : i32
        %add3A_599 = arith.constant 2 : i32
        %add3A_600 = arith.addi %mul3A_598, %add3A_599 : i32
        %get3A_601 = arith.index_cast %add3A_600 : i32 to index
        %get3A_602 = arith.constant 96 : index
        %get3A_603 = tpu.vector_load %arg23[%get3A_601, %get3A_602] {strides = array<i32>} : memref<256x128xf32, #tpu.memory_space<vmem>>, vector<1x16xf32>,
        %get3A_604 = vector.shape_cast %get3A_603 : vector<1x16xf32> to vector<16xf32>
        %add3A_605 = arith.addf %add3A_596, %get3A_604 : vector<16xf32>
        %mul3A_606 = arith.constant 8 : i32
        %mul3A_607 = arith.muli %scan3A_139, %mul3A_606 : i32
        %add3A_608 = arith.constant 3 : i32
        %add3A_609 = arith.addi %mul3A_607, %add3A_608 : i32
        %get3A_610 = arith.index_cast %add3A_609 : i32 to index
        %get3A_611 = arith.constant 96 : index
        %get3A_612 = tpu.vector_load %arg23[%get3A_610, %get3A_611] {strides = array<i32>} : memref<256x128xf32, #tpu.memory_space<vmem>>, vector<1x16xf32>,
        %get3A_613 = vector.shape_cast %get3A_612 : vector<1x16xf32> to vector<16xf32>
        %add3A_614 = arith.addf %add3A_605, %get3A_613 : vector<16xf32>
        %mul3A_615 = arith.constant 8 : i32
        %mul3A_616 = arith.muli %scan3A_139, %mul3A_615 : i32
        %add3A_617 = arith.constant 4 : i32
        %add3A_618 = arith.addi %mul3A_616, %add3A_617 : i32
        %get3A_619 = arith.index_cast %add3A_618 : i32 to index
        %get3A_620 = arith.constant 96 : index
        %get3A_621 = tpu.vector_load %arg23[%get3A_619, %get3A_620] {strides = array<i32>} : memref<256x128xf32, #tpu.memory_space<vmem>>, vector<1x16xf32>,
        %get3A_622 = vector.shape_cast %get3A_621 : vector<1x16xf32> to vector<16xf32>
        %add3A_623 = arith.addf %add3A_614, %get3A_622 : vector<16xf32>
        %mul3A_624 = arith.constant 8 : i32
        %mul3A_625 = arith.muli %scan3A_139, %mul3A_624 : i32
        %add3A_626 = arith.constant 5 : i32
        %add3A_627 = arith.addi %mul3A_625, %add3A_626 : i32
        %get3A_628 = arith.index_cast %add3A_627 : i32 to index
        %get3A_629 = arith.constant 96 : index
        %get3A_630 = tpu.vector_load %arg23[%get3A_628, %get3A_629] {strides = array<i32>} : memref<256x128xf32, #tpu.memory_space<vmem>>, vector<1x16xf32>,
        %get3A_631 = vector.shape_cast %get3A_630 : vector<1x16xf32> to vector<16xf32>
        %add3A_632 = arith.addf %add3A_623, %get3A_631 : vector<16xf32>
        %mul3A_633 = arith.constant 8 : i32
        %mul3A_634 = arith.muli %scan3A_139, %mul3A_633 : i32
        %add3A_635 = arith.constant 6 : i32
        %add3A_636 = arith.addi %mul3A_634, %add3A_635 : i32
        %get3A_637 = arith.index_cast %add3A_636 : i32 to index
        %get3A_638 = arith.constant 96 : index
        %get3A_639 = tpu.vector_load %arg23[%get3A_637, %get3A_638] {strides = array<i32>} : memref<256x128xf32, #tpu.memory_space<vmem>>, vector<1x16xf32>,
        %get3A_640 = vector.shape_cast %get3A_639 : vector<1x16xf32> to vector<16xf32>
        %add3A_641 = arith.addf %add3A_632, %get3A_640 : vector<16xf32>
        %mul3A_642 = arith.constant 8 : i32
        %mul3A_643 = arith.muli %scan3A_139, %mul3A_642 : i32
        %add3A_644 = arith.constant 7 : i32
        %add3A_645 = arith.addi %mul3A_643, %add3A_644 : i32
        %get3A_646 = arith.index_cast %add3A_645 : i32 to index
        %get3A_647 = arith.constant 96 : index
        %get3A_648 = tpu.vector_load %arg23[%get3A_646, %get3A_647] {strides = array<i32>} : memref<256x128xf32, #tpu.memory_space<vmem>>, vector<1x16xf32>,
        %get3A_649 = vector.shape_cast %get3A_648 : vector<1x16xf32> to vector<16xf32>
        %add3A_650 = arith.addf %add3A_641, %get3A_649 : vector<16xf32>
        %swap3A_651 = arith.index_cast %scan3A_139 : i32 to index
        %swap3A_652 = arith.constant 96 : index
        %swap3A_653 = tpu.vector_load %arg25[%swap3A_651, %swap3A_652] {strides = array<i32>} : memref<32x128xf32, #tpu.memory_space<vmem>>, vector<1x16xf32>,
        %swap3A_654 = vector.shape_cast %swap3A_653 : vector<1x16xf32> to vector<16xf32>
        %swap3A_655 = vector.shape_cast %add3A_650 : vector<16xf32> to vector<1x16xf32>
        tpu.vector_store %arg25[%swap3A_651, %swap3A_652], %swap3A_655 {strides = array<i32>} : memref<32x128xf32, #tpu.memory_space<vmem>>, vector<1x16xf32>,
        %mul3A_656 = arith.constant 8 : i32
        %mul3A_657 = arith.muli %scan3A_139, %mul3A_656 : i32
        %get3A_658 = arith.index_cast %mul3A_657 : i32 to index
        %get3A_659 = arith.constant 112 : index
        %get3A_660 = tpu.vector_load %arg23[%get3A_658, %get3A_659] {strides = array<i32>} : memref<256x128xf32, #tpu.memory_space<vmem>>, vector<1x16xf32>,
        %get3A_661 = vector.shape_cast %get3A_660 : vector<1x16xf32> to vector<16xf32>
        %mul3A_662 = arith.constant 8 : i32
        %mul3A_663 = arith.muli %scan3A_139, %mul3A_662 : i32
        %add3A_664 = arith.constant 1 : i32
        %add3A_665 = arith.addi %mul3A_663, %add3A_664 : i32
        %get3A_666 = arith.index_cast %add3A_665 : i32 to index
        %get3A_667 = arith.constant 112 : index
        %get3A_668 = tpu.vector_load %arg23[%get3A_666, %get3A_667] {strides = array<i32>} : memref<256x128xf32, #tpu.memory_space<vmem>>, vector<1x16xf32>,
        %get3A_669 = vector.shape_cast %get3A_668 : vector<1x16xf32> to vector<16xf32>
        %add3A_670 = arith.addf %get3A_661, %get3A_669 : vector<16xf32>
        %mul3A_671 = arith.constant 8 : i32
        %mul3A_672 = arith.muli %scan3A_139, %mul3A_671 : i32
        %add3A_673 = arith.constant 2 : i32
        %add3A_674 = arith.addi %mul3A_672, %add3A_673 : i32
        %get3A_675 = arith.index_cast %add3A_674 : i32 to index
        %get3A_676 = arith.constant 112 : index
        %get3A_677 = tpu.vector_load %arg23[%get3A_675, %get3A_676] {strides = array<i32>} : memref<256x128xf32, #tpu.memory_space<vmem>>, vector<1x16xf32>,
        %get3A_678 = vector.shape_cast %get3A_677 : vector<1x16xf32> to vector<16xf32>
        %add3A_679 = arith.addf %add3A_670, %get3A_678 : vector<16xf32>
        %mul3A_680 = arith.constant 8 : i32
        %mul3A_681 = arith.muli %scan3A_139, %mul3A_680 : i32
        %add3A_682 = arith.constant 3 : i32
        %add3A_683 = arith.addi %mul3A_681, %add3A_682 : i32
        %get3A_684 = arith.index_cast %add3A_683 : i32 to index
        %get3A_685 = arith.constant 112 : index
        %get3A_686 = tpu.vector_load %arg23[%get3A_684, %get3A_685] {strides = array<i32>} : memref<256x128xf32, #tpu.memory_space<vmem>>, vector<1x16xf32>,
        %get3A_687 = vector.shape_cast %get3A_686 : vector<1x16xf32> to vector<16xf32>
        %add3A_688 = arith.addf %add3A_679, %get3A_687 : vector<16xf32>
        %mul3A_689 = arith.constant 8 : i32
        %mul3A_690 = arith.muli %scan3A_139, %mul3A_689 : i32
        %add3A_691 = arith.constant 4 : i32
        %add3A_692 = arith.addi %mul3A_690, %add3A_691 : i32
        %get3A_693 = arith.index_cast %add3A_692 : i32 to index
        %get3A_694 = arith.constant 112 : index
        %get3A_695 = tpu.vector_load %arg23[%get3A_693, %get3A_694] {strides = array<i32>} : memref<256x128xf32, #tpu.memory_space<vmem>>, vector<1x16xf32>,
        %get3A_696 = vector.shape_cast %get3A_695 : vector<1x16xf32> to vector<16xf32>
        %add3A_697 = arith.addf %add3A_688, %get3A_696 : vector<16xf32>
        %mul3A_698 = arith.constant 8 : i32
        %mul3A_699 = arith.muli %scan3A_139, %mul3A_698 : i32
        %add3A_700 = arith.constant 5 : i32
        %add3A_701 = arith.addi %mul3A_699, %add3A_700 : i32
        %get3A_702 = arith.index_cast %add3A_701 : i32 to index
        %get3A_703 = arith.constant 112 : index
        %get3A_704 = tpu.vector_load %arg23[%get3A_702, %get3A_703] {strides = array<i32>} : memref<256x128xf32, #tpu.memory_space<vmem>>, vector<1x16xf32>,
        %get3A_705 = vector.shape_cast %get3A_704 : vector<1x16xf32> to vector<16xf32>
        %add3A_706 = arith.addf %add3A_697, %get3A_705 : vector<16xf32>
        %mul3A_707 = arith.constant 8 : i32
        %mul3A_708 = arith.muli %scan3A_139, %mul3A_707 : i32
        %add3A_709 = arith.constant 6 : i32
        %add3A_710 = arith.addi %mul3A_708, %add3A_709 : i32
        %get3A_711 = arith.index_cast %add3A_710 : i32 to index
        %get3A_712 = arith.constant 112 : index
        %get3A_713 = tpu.vector_load %arg23[%get3A_711, %get3A_712] {strides = array<i32>} : memref<256x128xf32, #tpu.memory_space<vmem>>, vector<1x16xf32>,
        %get3A_714 = vector.shape_cast %get3A_713 : vector<1x16xf32> to vector<16xf32>
        %add3A_715 = arith.addf %add3A_706, %get3A_714 : vector<16xf32>
        %mul3A_716 = arith.constant 8 : i32
        %mul3A_717 = arith.muli %scan3A_139, %mul3A_716 : i32
        %add3A_718 = arith.constant 7 : i32
        %add3A_719 = arith.addi %mul3A_717, %add3A_718 : i32
        %get3A_720 = arith.index_cast %add3A_719 : i32 to index
        %get3A_721 = arith.constant 112 : index
        %get3A_722 = tpu.vector_load %arg23[%get3A_720, %get3A_721] {strides = array<i32>} : memref<256x128xf32, #tpu.memory_space<vmem>>, vector<1x16xf32>,
        %get3A_723 = vector.shape_cast %get3A_722 : vector<1x16xf32> to vector<16xf32>
        %add3A_724 = arith.addf %add3A_715, %get3A_723 : vector<16xf32>
        %swap3A_725 = arith.index_cast %scan3A_139 : i32 to index
        %swap3A_726 = arith.constant 112 : index
        %swap3A_727 = tpu.vector_load %arg25[%swap3A_725, %swap3A_726] {strides = array<i32>} : memref<32x128xf32, #tpu.memory_space<vmem>>, vector<1x16xf32>,
        %swap3A_728 = vector.shape_cast %swap3A_727 : vector<1x16xf32> to vector<16xf32>
        %swap3A_729 = vector.shape_cast %add3A_724 : vector<16xf32> to vector<1x16xf32>
        tpu.vector_store %arg25[%swap3A_725, %swap3A_726], %swap3A_729 {strides = array<i32>} : memref<32x128xf32, #tpu.memory_space<vmem>>, vector<1x16xf32>,
      }
      %scan3A_131 = arith.constant 32 : i32
      %mul3A_132 = arith.constant 32 : i32
      %mul3A_133 = arith.muli %add3A_104, %mul3A_132 : i32
      %add3A_134 = arith.addi %mul3A_10, %mul3A_133 : i32
      %dma_start3A_135 = arith.constant 0 : i32
      %dma_start3A_136 = tpu.memref_slice %arg12[%add3A_134, %dma_start3A_135] : memref<32768x128xf32, #tpu.memory_space<hbm>> -> memref<32x128xf32, #tpu.memory_space<hbm>>
      %dma_start3A_137 = arith.constant 0 : i32
      %dma_start3A_138 = tpu.memref_slice %arg12[%add3A_134, %dma_start3A_137] : memref<32768x128xf32, #tpu.memory_space<hbm>> -> memref<32x128xf32, #tpu.memory_space<hbm>>
      tpu.enqueue_dma source(%arg25 : memref<32x128xf32, #tpu.memory_space<vmem>>) target(%dma_start3A_138 : memref<32x128xf32, #tpu.memory_space<hbm>>) target_semaphore(%arg30 : memref<!tpu.dma_semaphore, #tpu.memory_space<semaphore_mem>>)
    }
    %scan3A_36 = arith.constant 16 : i32
    %dma_wait3A = arith.constant 0 : i32
    %dma_wait3A_37 = arith.constant 0 : i32
    %dma_wait3A_38 = tpu.memref_slice %arg10[%dma_wait3A, %dma_wait3A_37] : memref<32768x128xf32, #tpu.memory_space<hbm>> -> memref<64x128xf32, #tpu.memory_space<hbm>>
    %dma_wait3A_39 = arith.constant 0 : i32
    %dma_wait3A_40 = arith.constant 0 : i32
    %dma_wait3A_41 = tpu.memref_slice %arg10[%dma_wait3A_39, %dma_wait3A_40] : memref<32768x128xf32, #tpu.memory_space<hbm>> -> memref<64x128xf32, #tpu.memory_space<hbm>>
    tpu.wait_dma2 semaphore(%arg28 : memref<!tpu.dma_semaphore, #tpu.memory_space<semaphore_mem>>) src(%arg19 : memref<64x128xf32, #tpu.memory_space<vmem>>) dst(%dma_wait3A_41 : memref<64x128xf32, #tpu.memory_space<hbm>>)
    %dma_wait3A_42 = arith.constant 0 : i32
    %dma_wait3A_43 = arith.constant 0 : i32
    %dma_wait3A_44 = tpu.memref_slice %arg11[%dma_wait3A_42, %dma_wait3A_43] : memref<32768x128xf32, #tpu.memory_space<hbm>> -> memref<64x128xf32, #tpu.memory_space<hbm>>
    %dma_wait3A_45 = arith.constant 0 : i32
    %dma_wait3A_46 = arith.constant 0 : i32
    %dma_wait3A_47 = tpu.memref_slice %arg11[%dma_wait3A_45, %dma_wait3A_46] : memref<32768x128xf32, #tpu.memory_space<hbm>> -> memref<64x128xf32, #tpu.memory_space<hbm>>
    tpu.wait_dma2 semaphore(%arg28 : memref<!tpu.dma_semaphore, #tpu.memory_space<semaphore_mem>>) src(%arg21 : memref<64x128xf32, #tpu.memory_space<vmem>>) dst(%dma_wait3A_47 : memref<64x128xf32, #tpu.memory_space<hbm>>)
    %dma_wait3A_48 = arith.constant 0 : i32
    %dma_wait3A_49 = arith.constant 0 : i32
    %dma_wait3A_50 = tpu.memref_slice %arg12[%dma_wait3A_48, %dma_wait3A_49] : memref<32768x128xf32, #tpu.memory_space<hbm>> -> memref<32x128xf32, #tpu.memory_space<hbm>>
    %dma_wait3A_51 = arith.constant 0 : i32
    %dma_wait3A_52 = arith.constant 0 : i32
    %dma_wait3A_53 = tpu.memref_slice %arg12[%dma_wait3A_51, %dma_wait3A_52] : memref<32768x128xf32, #tpu.memory_space<hbm>> -> memref<32x128xf32, #tpu.memory_space<hbm>>
    tpu.wait_dma2 semaphore(%arg30 : memref<!tpu.dma_semaphore, #tpu.memory_space<semaphore_mem>>) src(%arg24 : memref<32x128xf32, #tpu.memory_space<vmem>>) dst(%dma_wait3A_53 : memref<32x128xf32, #tpu.memory_space<hbm>>)
    %dma_wait3A_54 = arith.constant 0 : i32
    %dma_wait3A_55 = arith.constant 0 : i32
    %dma_wait3A_56 = tpu.memref_slice %arg12[%dma_wait3A_54, %dma_wait3A_55] : memref<32768x128xf32, #tpu.memory_space<hbm>> -> memref<32x128xf32, #tpu.memory_space<hbm>>
    %dma_wait3A_57 = arith.constant 0 : i32
    %dma_wait3A_58 = arith.constant 0 : i32
    %dma_wait3A_59 = tpu.memref_slice %arg12[%dma_wait3A_57, %dma_wait3A_58] : memref<32768x128xf32, #tpu.memory_space<hbm>> -> memref<32x128xf32, #tpu.memory_space<hbm>>
    tpu.wait_dma2 semaphore(%arg30 : memref<!tpu.dma_semaphore, #tpu.memory_space<semaphore_mem>>) src(%arg25 : memref<32x128xf32, #tpu.memory_space<vmem>>) dst(%dma_wait3A_59 : memref<32x128xf32, #tpu.memory_space<hbm>>)
    %dma_wait3A_60 = arith.constant 0 : i32
    %dma_wait3A_61 = arith.constant 0 : i32
    %dma_wait3A_62 = tpu.memref_slice %arg9[%dma_wait3A_60, %dma_wait3A_61] : memref<100000x128xf32, #tpu.memory_space<hbm>> -> memref<100000x128xf32, #tpu.memory_space<hbm>>
    tpu.wait_indirect_dma semaphore(%arg31 : memref<!tpu.dma_semaphore, #tpu.memory_space<semaphore_mem>>) src(%dma_wait3A_62 : memref<100000x128xf32, #tpu.memory_space<hbm>>) dst(%arg26 : memref<32x128xf32, #tpu.memory_space<vmem>>)
    "tpu.region"() ({
      %run_scoped3A = tpu.sem_alloc : memref<!tpu.dma_semaphore, #tpu.memory_space<semaphore_mem>>
      %dma_start3A_63 = arith.constant 0 : i32
      %dma_start3A_64 = tpu.memref_slice %arg13[%mul3A_12, %dma_start3A_63] : memref<1024x128xf32, #tpu.memory_space<hbm>> -> memref<32x128xf32, #tpu.memory_space<hbm>>
      %dma_start3A_65 = arith.constant 0 : i32
      %dma_start3A_66 = tpu.memref_slice %arg13[%mul3A_12, %dma_start3A_65] : memref<1024x128xf32, #tpu.memory_space<hbm>> -> memref<32x128xf32, #tpu.memory_space<hbm>>
      tpu.enqueue_dma source(%arg26 : memref<32x128xf32, #tpu.memory_space<vmem>>) target(%dma_start3A_66 : memref<32x128xf32, #tpu.memory_space<hbm>>) target_semaphore(%run_scoped3A : memref<!tpu.dma_semaphore, #tpu.memory_space<semaphore_mem>>)
      %dma_wait3A_67 = arith.constant 0 : i32
      %dma_wait3A_68 = tpu.memref_slice %arg13[%mul3A_12, %dma_wait3A_67] : memref<1024x128xf32, #tpu.memory_space<hbm>> -> memref<32x128xf32, #tpu.memory_space<hbm>>
      %dma_wait3A_69 = arith.constant 0 : i32
      %dma_wait3A_70 = tpu.memref_slice %arg13[%mul3A_12, %dma_wait3A_69] : memref<1024x128xf32, #tpu.memory_space<hbm>> -> memref<32x128xf32, #tpu.memory_space<hbm>>
      tpu.wait_dma2 semaphore(%run_scoped3A : memref<!tpu.dma_semaphore, #tpu.memory_space<semaphore_mem>>) src(%arg26 : memref<32x128xf32, #tpu.memory_space<vmem>>) dst(%dma_wait3A_70 : memref<32x128xf32, #tpu.memory_space<hbm>>)
      tpu.yield
    }) : () -> ()
    return
  }
}

module attributes {stable_mosaic.version = 14 : i64} {
  func.func @_tc_body(%arg0: i32, %arg1: memref<4096x128xf32, #tpu.memory_space<vmem>>, %arg2: memref<4096x128xf32, #tpu.memory_space<vmem>>, %arg3: memref<4096x128xf32, #tpu.memory_space<vmem>>, %arg4: memref<128x128xf32, #tpu.memory_space<vmem>>, %arg5: memref<384x128xf32, #tpu.memory_space<vmem>>, %arg6: memref<128xf32, #tpu.memory_space<vmem>>, %arg7: memref<128x128xf32, #tpu.memory_space<vmem>>, %arg8: memref<128xf32, #tpu.memory_space<vmem>>, %arg9: memref<256x128xf32, #tpu.memory_space<vmem>>, %arg10: memref<128xf32, #tpu.memory_space<vmem>>, %arg11: memref<128x128xf32, #tpu.memory_space<vmem>>, %arg12: memref<128xf32, #tpu.memory_space<vmem>>, %arg13: memref<128x1xf32, #tpu.memory_space<vmem>>, %arg14: memref<128x128xf32, #tpu.memory_space<vmem>>) attributes {dimension_semantics = [#tpu.dimension_semantics<arbitrary>], iteration_bounds = array<i64: 8>, scalar_prefetch = 0 : i64, scratch_operands = 0 : i64, tpu.core_type = #tpu.core_type<tc>, window_params = [{transform_indices = @transform_0, window_bounds = array<i64: 4096, 128>}, {transform_indices = @transform_1, window_bounds = array<i64: 4096, 128>}, {transform_indices = @transform_2, window_bounds = array<i64: 4096, 128>}, {transform_indices = @transform_3, window_bounds = array<i64: 128, 128>}, {pipeline_mode = #tpu.pipeline_mode<synchronous>, transform_indices = @transform_4, window_bounds = array<i64: 384, 128>}, {pipeline_mode = #tpu.pipeline_mode<synchronous>, transform_indices = @transform_5, window_bounds = array<i64: 128>}, {pipeline_mode = #tpu.pipeline_mode<synchronous>, transform_indices = @transform_6, window_bounds = array<i64: 128, 128>}, {pipeline_mode = #tpu.pipeline_mode<synchronous>, transform_indices = @transform_7, window_bounds = array<i64: 128>}, {pipeline_mode = #tpu.pipeline_mode<synchronous>, transform_indices = @transform_8, window_bounds = array<i64: 256, 128>}, {pipeline_mode = #tpu.pipeline_mode<synchronous>, transform_indices = @transform_9, window_bounds = array<i64: 128>}, {pipeline_mode = #tpu.pipeline_mode<synchronous>, transform_indices = @transform_10, window_bounds = array<i64: 128, 128>}, {pipeline_mode = #tpu.pipeline_mode<synchronous>, transform_indices = @transform_11, window_bounds = array<i64: 128>}, {pipeline_mode = #tpu.pipeline_mode<synchronous>, transform_indices = @transform_12, window_bounds = array<i64: 128, 1>}, {transform_indices = @transform_13, window_bounds = array<i64: 128, 128>}]} {
    %get3A = arith.constant 0 : index
    %get3A_0 = arith.constant 0 : index
    %get3A_1 = vector.load %arg1[%get3A, %get3A_0] : memref<4096x128xf32, #tpu.memory_space<vmem>>, vector<4096x128xf32>
    %get3A_2 = arith.constant 0 : index
    %get3A_3 = arith.constant 0 : index
    %get3A_4 = vector.load %arg2[%get3A_2, %get3A_3] : memref<4096x128xf32, #tpu.memory_space<vmem>>, vector<4096x128xf32>
    %get3A_5 = arith.constant 0 : index
    %get3A_6 = arith.constant 0 : index
    %get3A_7 = vector.load %arg3[%get3A_5, %get3A_6] : memref<4096x128xf32, #tpu.memory_space<vmem>>, vector<4096x128xf32>
    %get3A_8 = arith.constant 0 : index
    %get3A_9 = arith.constant 0 : index
    %get3A_10 = vector.load %arg5[%get3A_8, %get3A_9] : memref<384x128xf32, #tpu.memory_space<vmem>>, vector<128x128xf32>
    %dot_general3A = arith.constant dense<0.000000e+00> : vector<4096x128xf32>
    %dot_general3A_11 = tpu.matmul %get3A_1, %get3A_10, %dot_general3A {dimension_numbers = #tpu.dot_dimension_numbers<[1], [0], [0], [1], [0, 0, 1, 1], [], []>, transpose_lhs_hint = false} : vector<4096x128xf32>, vector<128x128xf32>, vector<4096x128xf32> -> vector<4096x128xf32>
    %get3A_12 = arith.constant 128 : index
    %get3A_13 = arith.constant 0 : index
    %get3A_14 = vector.load %arg5[%get3A_12, %get3A_13] : memref<384x128xf32, #tpu.memory_space<vmem>>, vector<128x128xf32>
    %dot_general3A_15 = arith.constant dense<0.000000e+00> : vector<4096x128xf32>
    %dot_general3A_16 = tpu.matmul %get3A_4, %get3A_14, %dot_general3A_15 {dimension_numbers = #tpu.dot_dimension_numbers<[1], [0], [0], [1], [0, 0, 1, 1], [], []>, transpose_lhs_hint = false} : vector<4096x128xf32>, vector<128x128xf32>, vector<4096x128xf32> -> vector<4096x128xf32>
    %add3A = arith.addf %dot_general3A_11, %dot_general3A_16 : vector<4096x128xf32>
    %get3A_17 = arith.constant 256 : index
    %get3A_18 = arith.constant 0 : index
    %get3A_19 = vector.load %arg5[%get3A_17, %get3A_18] : memref<384x128xf32, #tpu.memory_space<vmem>>, vector<128x128xf32>
    %dot_general3A_20 = arith.constant dense<0.000000e+00> : vector<4096x128xf32>
    %dot_general3A_21 = tpu.matmul %get3A_7, %get3A_19, %dot_general3A_20 {dimension_numbers = #tpu.dot_dimension_numbers<[1], [0], [0], [1], [0, 0, 1, 1], [], []>, transpose_lhs_hint = false} : vector<4096x128xf32>, vector<128x128xf32>, vector<4096x128xf32> -> vector<4096x128xf32>
    %add3A_22 = arith.addf %add3A, %dot_general3A_21 : vector<4096x128xf32>
    %get3A_23 = arith.constant 0 : index
    %get3A_24 = vector.load %arg6[%get3A_23] : memref<128xf32, #tpu.memory_space<vmem>>, vector<128xf32>
    %broadcast_in_dim3A = vector.shape_cast %get3A_24 : vector<128xf32> to vector<1x128xf32>
    %add3A_25 = vector.broadcast %broadcast_in_dim3A : vector<1x128xf32> to vector<4096x128xf32>
    %add3A_26 = arith.addf %add3A_22, %add3A_25 : vector<4096x128xf32>
    %max3A = arith.constant 0.000000e+00 : f32
    %max3A_27 = vector.broadcast %max3A : f32 to vector<4096x128xf32>
    %max3A_28 = arith.maximumf %add3A_26, %max3A_27 : vector<4096x128xf32>
    %get3A_29 = arith.constant 0 : index
    %get3A_30 = arith.constant 0 : index
    %get3A_31 = vector.load %arg7[%get3A_29, %get3A_30] : memref<128x128xf32, #tpu.memory_space<vmem>>, vector<128x128xf32>
    %dot_general3A_32 = arith.constant dense<0.000000e+00> : vector<4096x128xf32>
    %dot_general3A_33 = tpu.matmul %max3A_28, %get3A_31, %dot_general3A_32 {dimension_numbers = #tpu.dot_dimension_numbers<[1], [0], [0], [1], [0, 0, 1, 1], [], []>, transpose_lhs_hint = false} : vector<4096x128xf32>, vector<128x128xf32>, vector<4096x128xf32> -> vector<4096x128xf32>
    %get3A_34 = arith.constant 0 : index
    %get3A_35 = vector.load %arg8[%get3A_34] : memref<128xf32, #tpu.memory_space<vmem>>, vector<128xf32>
    %broadcast_in_dim3A_36 = vector.shape_cast %get3A_35 : vector<128xf32> to vector<1x128xf32>
    %add3A_37 = vector.broadcast %broadcast_in_dim3A_36 : vector<1x128xf32> to vector<4096x128xf32>
    %add3A_38 = arith.addf %dot_general3A_33, %add3A_37 : vector<4096x128xf32>
    %max3A_39 = arith.constant 0.000000e+00 : f32
    %max3A_40 = vector.broadcast %max3A_39 : f32 to vector<4096x128xf32>
    %max3A_41 = arith.maximumf %add3A_38, %max3A_40 : vector<4096x128xf32>
    %get3A_42 = arith.constant 0 : index
    %get3A_43 = arith.constant 0 : index
    %get3A_44 = vector.load %arg4[%get3A_42, %get3A_43] : memref<128x128xf32, #tpu.memory_space<vmem>>, vector<128x128xf32>
    %get3A_45 = arith.constant 128 : index
    %get3A_46 = arith.constant 0 : index
    %get3A_47 = vector.load %arg9[%get3A_45, %get3A_46] : memref<256x128xf32, #tpu.memory_space<vmem>>, vector<128x128xf32>
    %dot_general3A_48 = arith.constant dense<0.000000e+00> : vector<128x128xf32>
    %dot_general3A_49 = tpu.matmul %get3A_44, %get3A_47, %dot_general3A_48 {dimension_numbers = #tpu.dot_dimension_numbers<[1], [0], [0], [1], [0, 0, 1, 1], [], []>, transpose_lhs_hint = false} : vector<128x128xf32>, vector<128x128xf32>, vector<128x128xf32> -> vector<128x128xf32>
    %get3A_50 = arith.constant 0 : index
    %get3A_51 = vector.load %arg10[%get3A_50] : memref<128xf32, #tpu.memory_space<vmem>>, vector<128xf32>
    %broadcast_in_dim3A_52 = vector.shape_cast %get3A_51 : vector<128xf32> to vector<1x128xf32>
    %add3A_53 = vector.broadcast %broadcast_in_dim3A_52 : vector<1x128xf32> to vector<128x128xf32>
    %add3A_54 = arith.addf %dot_general3A_49, %add3A_53 : vector<128x128xf32>
    %get3A_55 = arith.constant 0 : index
    %get3A_56 = arith.constant 0 : index
    %get3A_57 = vector.load %arg9[%get3A_55, %get3A_56] : memref<256x128xf32, #tpu.memory_space<vmem>>, vector<128x128xf32>
    %dot_general3A_58 = arith.constant dense<0.000000e+00> : vector<4096x128xf32>
    %dot_general3A_59 = tpu.matmul %max3A_41, %get3A_57, %dot_general3A_58 {dimension_numbers = #tpu.dot_dimension_numbers<[1], [0], [0], [1], [0, 0, 1, 1], [], []>, transpose_lhs_hint = false} : vector<4096x128xf32>, vector<128x128xf32>, vector<4096x128xf32> -> vector<4096x128xf32>
    %reshape3A = vector.shape_cast %dot_general3A_59 : vector<4096x128xf32> to vector<128x32x128xf32>
    %broadcast_in_dim3A_60 = vector.shape_cast %add3A_54 : vector<128x128xf32> to vector<128x1x128xf32>
    %add3A_61 = vector.broadcast %broadcast_in_dim3A_60 : vector<128x1x128xf32> to vector<128x32x128xf32>
    %add3A_62 = arith.addf %reshape3A, %add3A_61 : vector<128x32x128xf32>
    %max3A_63 = arith.constant 0.000000e+00 : f32
    %max3A_64 = vector.broadcast %max3A_63 : f32 to vector<128x32x128xf32>
    %max3A_65 = arith.maximumf %add3A_62, %max3A_64 : vector<128x32x128xf32>
    %reshape3A_66 = vector.shape_cast %max3A_65 : vector<128x32x128xf32> to vector<4096x128xf32>
    %get3A_67 = arith.constant 0 : index
    %get3A_68 = arith.constant 0 : index
    %get3A_69 = vector.load %arg11[%get3A_67, %get3A_68] : memref<128x128xf32, #tpu.memory_space<vmem>>, vector<128x128xf32>
    %dot_general3A_70 = arith.constant dense<0.000000e+00> : vector<4096x128xf32>
    %dot_general3A_71 = tpu.matmul %reshape3A_66, %get3A_69, %dot_general3A_70 {dimension_numbers = #tpu.dot_dimension_numbers<[1], [0], [0], [1], [0, 0, 1, 1], [], []>, transpose_lhs_hint = false} : vector<4096x128xf32>, vector<128x128xf32>, vector<4096x128xf32> -> vector<4096x128xf32>
    %get3A_72 = arith.constant 0 : index
    %get3A_73 = vector.load %arg12[%get3A_72] : memref<128xf32, #tpu.memory_space<vmem>>, vector<128xf32>
    %broadcast_in_dim3A_74 = vector.shape_cast %get3A_73 : vector<128xf32> to vector<1x128xf32>
    %add3A_75 = vector.broadcast %broadcast_in_dim3A_74 : vector<1x128xf32> to vector<4096x128xf32>
    %add3A_76 = arith.addf %dot_general3A_71, %add3A_75 : vector<4096x128xf32>
    %max3A_77 = arith.constant 0.000000e+00 : f32
    %max3A_78 = vector.broadcast %max3A_77 : f32 to vector<4096x128xf32>
    %max3A_79 = arith.maximumf %add3A_76, %max3A_78 : vector<4096x128xf32>
    %get3A_80 = arith.constant 0 : index
    %get3A_81 = arith.constant 0 : index
    %get3A_82 = vector.load %arg13[%get3A_80, %get3A_81] : memref<128x1xf32, #tpu.memory_space<vmem>>, vector<128x1xf32>
    %broadcast_in_dim3A_83 = vector.shape_cast %get3A_82 : vector<128x1xf32> to vector<128x1xf32>
    %broadcast_in_dim3A_84 = vector.broadcast %broadcast_in_dim3A_83 : vector<128x1xf32> to vector<128x128xf32>
    %dot_general3A_85 = arith.constant dense<0.000000e+00> : vector<4096x128xf32>
    %dot_general3A_86 = tpu.matmul %max3A_79, %broadcast_in_dim3A_84, %dot_general3A_85 {dimension_numbers = #tpu.dot_dimension_numbers<[1], [0], [0], [1], [0, 0, 1, 1], [], []>, transpose_lhs_hint = false} : vector<4096x128xf32>, vector<128x128xf32>, vector<4096x128xf32> -> vector<4096x128xf32>
    %reshape3A_87 = vector.shape_cast %dot_general3A_86 : vector<4096x128xf32> to vector<128x32x128xf32>
    %reduce_max3A = arith.constant dense<0xFF800000> : vector<128x128xf32>
    %reduce_max3A_88 = vector.multi_reduction <maximumf>, %reshape3A_87, %reduce_max3A [1] : vector<128x32x128xf32> to vector<128x128xf32>
    %broadcast_in_dim3A_89 = vector.shape_cast %reduce_max3A_88 : vector<128x128xf32> to vector<128x1x128xf32>
    %sub3A = vector.broadcast %broadcast_in_dim3A_89 : vector<128x1x128xf32> to vector<128x32x128xf32>
    %sub3A_90 = arith.subf %reshape3A_87, %sub3A : vector<128x32x128xf32>
    %exp3A = math.exp %sub3A_90 : vector<128x32x128xf32>
    %reduce_sum3A = arith.constant dense<0.000000e+00> : vector<128x128xf32>
    %reduce_sum3A_91 = vector.multi_reduction <add>, %exp3A, %reduce_sum3A [1] : vector<128x32x128xf32> to vector<128x128xf32>
    %broadcast_in_dim3A_92 = vector.shape_cast %reduce_sum3A_91 : vector<128x128xf32> to vector<128x1x128xf32>
    %div3A = vector.broadcast %broadcast_in_dim3A_92 : vector<128x1x128xf32> to vector<128x32x128xf32>
    %div3A_93 = arith.divf %exp3A, %div3A : vector<128x32x128xf32>
    %reshape3A_94 = vector.shape_cast %max3A_41 : vector<4096x128xf32> to vector<128x32x128xf32>
    %mul3A = arith.mulf %reshape3A_94, %div3A_93 : vector<128x32x128xf32>
    %reduce_sum3A_95 = arith.constant dense<0.000000e+00> : vector<128x128xf32>
    %reduce_sum3A_96 = vector.multi_reduction <add>, %mul3A, %reduce_sum3A_95 [1] : vector<128x32x128xf32> to vector<128x128xf32>
    %swap3A = arith.constant 0 : index
    %swap3A_97 = arith.constant 0 : index
    %swap3A_98 = vector.load %arg14[%swap3A, %swap3A_97] : memref<128x128xf32, #tpu.memory_space<vmem>>, vector<128x128xf32>
    tpu.vector_store %arg14[%swap3A, %swap3A_97], %reduce_sum3A_96 {strides = array<i32>} : memref<128x128xf32, #tpu.memory_space<vmem>>, vector<128x128xf32>,
    return
  }
  func.func @transform_0(%arg0: i32) -> (i32, i32) {
    %c0_i32 = arith.constant 0 : i32
    %c0_i32_0 = arith.constant 0 : i32
    return %arg0, %c0_i32 : i32, i32
  }
  func.func @transform_1(%arg0: i32) -> (i32, i32) {
    %c0_i32 = arith.constant 0 : i32
    %c0_i32_0 = arith.constant 0 : i32
    return %arg0, %c0_i32 : i32, i32
  }
  func.func @transform_2(%arg0: i32) -> (i32, i32) {
    %c0_i32 = arith.constant 0 : i32
    %c0_i32_0 = arith.constant 0 : i32
    return %arg0, %c0_i32 : i32, i32
  }
  func.func @transform_3(%arg0: i32) -> (i32, i32) {
    %c0_i32 = arith.constant 0 : i32
    %c0_i32_0 = arith.constant 0 : i32
    return %arg0, %c0_i32 : i32, i32
  }
  func.func @transform_4(%arg0: i32) -> (i32, i32) {
    %c0_i32 = arith.constant 0 : i32
    %c0_i32_0 = arith.constant 0 : i32
    %c0_i32_1 = arith.constant 0 : i32
    return %c0_i32, %c0_i32_0 : i32, i32
  }
  func.func @transform_5(%arg0: i32) -> i32 {
    %c0_i32 = arith.constant 0 : i32
    %c0_i32_0 = arith.constant 0 : i32
    return %c0_i32 : i32
  }
  func.func @transform_6(%arg0: i32) -> (i32, i32) {
    %c0_i32 = arith.constant 0 : i32
    %c0_i32_0 = arith.constant 0 : i32
    %c0_i32_1 = arith.constant 0 : i32
    return %c0_i32, %c0_i32_0 : i32, i32
  }
  func.func @transform_7(%arg0: i32) -> i32 {
    %c0_i32 = arith.constant 0 : i32
    %c0_i32_0 = arith.constant 0 : i32
    return %c0_i32 : i32
  }
  func.func @transform_8(%arg0: i32) -> (i32, i32) {
    %c0_i32 = arith.constant 0 : i32
    %c0_i32_0 = arith.constant 0 : i32
    %c0_i32_1 = arith.constant 0 : i32
    return %c0_i32, %c0_i32_0 : i32, i32
  }
  func.func @transform_9(%arg0: i32) -> i32 {
    %c0_i32 = arith.constant 0 : i32
    %c0_i32_0 = arith.constant 0 : i32
    return %c0_i32 : i32
  }
  func.func @transform_10(%arg0: i32) -> (i32, i32) {
    %c0_i32 = arith.constant 0 : i32
    %c0_i32_0 = arith.constant 0 : i32
    %c0_i32_1 = arith.constant 0 : i32
    return %c0_i32, %c0_i32_0 : i32, i32
  }
  func.func @transform_11(%arg0: i32) -> i32 {
    %c0_i32 = arith.constant 0 : i32
    %c0_i32_0 = arith.constant 0 : i32
    return %c0_i32 : i32
  }
  func.func @transform_12(%arg0: i32) -> (i32, i32) {
    %c0_i32 = arith.constant 0 : i32
    %c0_i32_0 = arith.constant 0 : i32
    %c0_i32_1 = arith.constant 0 : i32
    return %c0_i32, %c0_i32_0 : i32, i32
  }
  func.func @transform_13(%arg0: i32) -> (i32, i32) {
    %c0_i32 = arith.constant 0 : i32
    %c0_i32_0 = arith.constant 0 : i32
    return %arg0, %c0_i32 : i32, i32
  }
}

</mosaic_0001>

<sc_bundles>
// kernel: kernel.4.cloned.1.call-start
scs
__scs_entry_jumppad:
0x0: {  	(pc) =	sbr.rel $0x88, $3  }
0x1: {  	(tag) =	ssettag $0x0;
	lr =	simm.s32 $0x1  }
0x2: {  	[smem:$0x3F91] =	sst lr;
	_ =	strace $0xD0000000  }
0x3: {  	_ = 	snop  }
0x4: {  	_ = 	snop  }
0x5: {  	_ = 	snop  }
0x6: {  	_ = 	snop  }
0x7: {  	_ = 	snop  }
__scs_overlays_trampoline_lowered:
0x8: {  	[smem:$0x3FA0] =	sst s0  }
0x9: {  	[smem:$0x3FA1] =	sst s1  }
0xa: {  	[smem:$0x3FA2] =	sst s2  }
0xb: {  	[smem:$0x3FA3] =	sst s3  }
0xc: {  	[smem:$0x3FA4] =	sst s4  }
0xd: {  	[smem:$0x3FA5] =	sst s5  }
0xe: {  	[smem:$0x3FA6] =	sst s6  }
0xf: {  	[smem:$0x3FA7] =	sst s7  }
0x10: {  	[smem:$0x3FA8] =	sst s8  }
0x11: {  	[smem:$0x3FA9] =	sst s9;
	s0 =	simm.s32 @!p0 $0x0  }
0x12: {  	s1 =	sld [smem:$0x3F8F];
	s0 =	simm.s32 @p0 $0x1  }
0x13: {  	[smem:$0x3FAA] =	sst s0;
	s0 =	simm.s32 @!p1 $0x0  }
0x14: {  	s2 =	sld [smem:$0x3F8E];
	s0 =	simm.s32 @p1 $0x1  }
0x15: {  	[smem:$0x3FAB] =	sst s0;
	s0 =	simm.s32 @!p2 $0x0  }
0x16: {  	s3 =	sld [smem:$0x3FDB];
	s0 =	simm.s32 @p2 $0x1  }
0x17: {  	s4 =	simm.s32 $0x1BF5;
	[smem:$0x3FAD] =	sst s0  }
0x18: {  	s0 =	sld [smem:$0x3F90];
	_ =	swait.ge [sflag:s4], $0x0  }
0x19: {  	s7 =	sld [smem:$0x3F91]  }
0x1a: {  	s8 =	sadd.s32 $0xFFFFE003, lr  }
0x1b: {  	s9 =	sadd.s32 $0xFFFFFEF7, lr;
	s5 =	simm.s32 $0xFFFFFFFF;
	p2 =	slt.u32 s8, $0xFFFFF086  }
0x1c: {  	p1 =	slt.u32 s9, $0xF7A;
	s5 =	simm.s32 @!p2 $0x0  }
0x1d: {  	s5 =	simm.s32 @p1 $0x1;
	p0 =	seq.s32 s7, s2  }
0x1e: {  	s7 =	smul.u32 @!p0 $0xF7A, s2;
	p2 =	seq.s32 @!p0 s5, $0x0  }
0x1f: {  	s9 =	smul.u32 $0xF7A, s1;
	s8 =	simm.s32 @!p0 $0x1BF5;
	p2 =	por !p2, p0  }
0x20: {  	[sflag:s8] =	ssyncset.s32 @!p0 $0xFFFFF086;
	s6 =	sadd.s32 @!p0 s3, s7;
	s7 =	simm.s32 @!p0 $0x108  }
0x21: {  	s3 =	sadd.s32 s3, s9;
	s6 =	sadd.s32 @!p0 $0x88, s6;
	s7 =	simm.s32 @p2 $0x1082  }
0x22: {  	[simem:s7], [sflag:s8] =	dma.local @!p0 [hbm:s6], $0xF7A  }
0x23: {  	s9 =	sor.u32 $0xD0000000, s2;
	s6 =	simm.s32 $0x108;
	_ =	swait.ge @!p0 [sflag:s8], $0x0  }
0x24: {  	s3 =	sadd.s32 $0x88, s3;
	s6 =	simm.s32 @!p1 $0x1082;
	[sflag:s4] =	ssyncset.s32 $0xFFFFF086  }
0x25: {  	[simem:s6], [sflag:s4] =	dma.local [hbm:s3], $0xF7A  }
0x26: {  	[smem:$0x3F91] =	sst s1;
	(tag) =	ssettag s2;
	_ =	strace s9  }
0x27: {  	s1 =	sld [smem:$0x3FA1]  }
0x28: {  	s2 =	sld [smem:$0x3FA2]  }
0x29: {  	s4 =	sld [smem:$0x3FA4]  }
0x2a: {  	p0 =	seq.s32 s5, $0x0;
	s5 =	sld [smem:$0x3FA5]  }
0x2b: {  	s6 =	sld [smem:$0x3FA6]  }
0x2c: {  	s7 =	sld [smem:$0x3FA7]  }
0x2d: {  	s3 =	simm.s32 $0x108;
	s8 =	sld [smem:$0x3FA8]  }
0x2e: {  	s3 =	simm.s32 @!p0 $0x1082;
	s9 =	sld [smem:$0x3FA9]  }
0x2f: {  	lr =	sadd.s32 s0, s3;
	s0 =	sld [smem:$0x3FA0]  }
0x30: {  	s3 =	sld [smem:$0x3FA3]  }
0x31: {  	[smem:$0x3FAC] =	sst s10  }
0x32: {  	s10 =	sld [smem:$0x3FAA];
	_ =	sdelay $0x3  }
0x33: {  	p0 =	seq.s32 s10, $0x1;
	s10 =	sld [smem:$0x3FAC];
	_ =	sdelay $0x3  }
0x34: {  	[smem:$0x3FAC] =	sst s10  }
0x35: {  	s10 =	sld [smem:$0x3FAB];
	_ =	sdelay $0x3  }
0x36: {  	p1 =	seq.s32 s10, $0x1;
	s10 =	sld [smem:$0x3FAC];
	_ =	sdelay $0x3  }
0x37: {  	[smem:$0x3FAC] =	sst s10  }
0x38: {  	s10 =	sld [smem:$0x3FAD]  }
0x39: {  	_ = 	snop;
	(pc) =	sbr.ind lr, $3  }
0x3a: {  	_ = 	snop  }
0x3b: {  	_ = 	snop  }
0x3c: {  	p2 =	seq.s32 s10, $0x1;
	s10 =	sld [smem:$0x3FAC]  }
0x3d: {  	_ =	shalt  }
0x3e: {  	_ =	shalt  }
0x3f: {  	_ =	shalt  }
0x40: {  	_ =	shalt  }
0x41: {  	_ =	shalt  }
0x42: {  	_ =	shalt  }
0x43: {  	_ =	shalt  }
0x44: {  	_ =	shalt  }
0x45: {  	_ =	shalt  }
0x46: {  	_ =	shalt  }
0x47: {  	_ =	shalt  }
0x48: {  	_ =	shalt  }
0x49: {  	_ =	shalt  }
0x4a: {  	_ =	shalt  }
0x4b: {  	_ =	shalt  }
0x4c: {  	_ =	shalt  }
0x4d: {  	_ =	shalt  }
0x4e: {  	_ =	shalt  }
0x4f: {  	_ =	shalt  }
0x50: {  	_ =	shalt  }
0x51: {  	_ =	shalt  }
0x52: {  	_ =	shalt  }
0x53: {  	_ =	shalt  }
0x54: {  	_ =	shalt  }
0x55: {  	_ =	shalt  }
0x56: {  	_ =	shalt  }
0x57: {  	_ =	shalt  }
0x58: {  	_ =	shalt  }
0x59: {  	_ =	shalt  }
0x5a: {  	_ =	shalt  }
0x5b: {  	_ =	shalt  }
0x5c: {  	_ =	shalt  }
0x5d: {  	_ =	shalt  }
0x5e: {  	_ =	shalt  }
0x5f: {  	_ =	shalt  }
0x60: {  	_ =	shalt  }
0x61: {  	_ =	shalt  }
0x62: {  	_ =	shalt  }
0x63: {  	_ =	shalt  }
0x64: {  	_ =	shalt  }
0x65: {  	_ =	shalt  }
0x66: {  	_ =	shalt  }
0x67: {  	_ =	shalt  }
0x68: {  	_ =	shalt  }
0x69: {  	_ =	shalt  }
0x6a: {  	_ =	shalt  }
0x6b: {  	_ =	shalt  }
0x6c: {  	_ =	shalt  }
0x6d: {  	_ =	shalt  }
0x6e: {  	_ =	shalt  }
0x6f: {  	_ =	shalt  }
0x70: {  	_ =	shalt  }
0x71: {  	_ =	shalt  }
0x72: {  	_ =	shalt  }
0x73: {  	_ =	shalt  }
0x74: {  	_ =	shalt  }
0x75: {  	_ =	shalt  }
0x76: {  	_ =	shalt  }
0x77: {  	_ =	shalt  }
0x78: {  	_ =	shalt  }
0x79: {  	_ =	shalt  }
0x7a: {  	_ =	shalt  }
0x7b: {  	_ =	shalt  }
0x7c: {  	_ =	shalt  }
0x7d: {  	_ =	shalt  }
0x7e: {  	_ =	shalt  }
0x7f: {  	_ =	shalt  }
0x80: {  	_ =	shalt  }
0x81: {  	_ =	shalt  }
0x82: {  	_ =	shalt  }
0x83: {  	_ =	shalt  }
0x84: {  	_ =	shalt  }
0x85: {  	_ =	shalt  }
0x86: {  	_ =	shalt  }
0x87: {  	_ =	shalt  }
.Lfunc_end0:
.L_simem_size_0:
called_computation_lowered:
.L_overlay_start_0:
0x88: {  	s2 =	sld [smem:$0x3FD9]  }
0x89: {  	s3 =	sld [smem:$0x3FFE];
	_ =	sdelay $0x1  }
0x8a: {  	s1 =	srdreg.scid  }
0x8b: {  	s0 =	sand.u32 $0x1, s1  }
0x8c: {  	s17 =	sshll.u32 s0, $0xA;
	s2 =	sadd.s32 s3, s2  }
0x8d: {  	s2 =	sadd.s32 s2, s17  }
0x8e: {  	[smem:$0x3FB8] =	sst s2  }
0x8f: {  	_ = 	snop  }
0x90: {  	s2 =	sld [smem:$0x3FC9]  }
0x91: {  	s18 =	sld [smem:$0x3FC6]  }
0x92: {  	s4 =	sld [smem:$0x3FC5]  }
0x93: {  	s5 =	sld [smem:$0x3FC4]  }
0x94: {  	s6 =	sld [smem:$0x3FC3]  }
0x95: {  	s7 =	sld [smem:$0x3FD0];
	(tm) =	ssettm $0x1  }
0x96: {  	s8 =	sld [smem:$0x3FFB];
	_ =	sdelay $0x3  }
0x97: {  	_ =	strace s8  }
0x98: {  	s8 =	sld [smem:$0x3FFC];
	_ =	sdelay $0x3  }
0x99: {  	_ =	strace s8  }
0x9a: {  	s8 =	sld [smem:$0x3FFD];
	_ =	sdelay $0x3  }
0x9b: {  	_ =	strace s8  }
0x9c: {  	_ =	strace $0x8FFFFFFF  }
0x9d: {  	s19 =	sld [smem:$0x3FDB];
	_ =	sdelay $0x1  }
0x9e: {  	s9 =	simm.s32 $_scs_section_size  }
0x9f: {  	s10 =	simm.s32 $_size__tile_overlayer_lowered;
	s11 =	simm.s32 $_tile_overlayer_lowered  }
0xa0: {  	s22 =	simm.s32 $0x1BFF;
	s21 =	sshll.u32 s11, $0x1;
	s8 =	sadd.s32 s9, s19  }
0xa1: {  	s12 =	simm.s32 $0x0;
	s20 =	sshll.u32 s10, $0x1;
	s10 =	sadd.s32 s21, s8  }
0xa2: {  	[timem:s12], [sflag:s22] =	dma.local [hbm:s10], s20  }
0xa3: {  	_ =	swait.ge [sflag:s22], s20  }
0xa4: {  	s9 =	ssub.s32 $0x0, s20;
	[sflag:s22] =	ssyncset.done $0x0  }
0xa5: {  	[sflag:s22] =	ssyncadd.s32 s9;
	_ =	sdelay $0x1  }
0xa6: {  	s23 =	simm.s32 $0x1B8B  }
0xa7: {  	_ =	swait.ge [sflag:s23], $0x1  }
0xa8: {  	[sflag:s23] =	ssyncset.done $0x0  }
0xa9: {  	s25 =	simm.s32 $0x1B8E;
	s24 =	sld [smem:$0x3FFE];
	[sflag:s23] =	ssyncadd.s32 $0xFFFFFFFF  }
0xaa: {  	s26 =	simm.s32 $execute0_lowered;
	[smem:$0x3FD2] =	sst s25  }
0xab: {  	s10 =	sshll.u32 s26, $0x1;
	_ =	strace $0x80000046;
	[dreg:$0x1] =	wrdreg $0xFFFFFFFF  }
0xac: {  	s28 =	simm.s32 $_size_execute0_lowered;
	s8 =	sadd.s32 s8, s10;
	[dreg:$0x0] =	wrdreg $0x0  }
0xad: {  	s10 =	sshll.u32 s28, $0x1;
	[dreg:$0x2] =	wrdreg s8  }
0xae: {  	[dreg:$0x3] =	wrdreg s10  }
0xaf: {  	[dreg:$0x4] =	wrdreg $0xC0  }
0xb0: {  	_ =	task [dreg:s12], $0x5FFFF  }
0xb1: {  	[dreg:$0x1] =	wrdreg $0xFFFFFFFF  }
0xb2: {  	[dreg:$0x0] =	wrdreg $0x60  }
0xb3: {  	[dreg:$0x2] =	wrdreg s24  }
0xb4: {  	[dreg:$0x3] =	wrdreg s2  }
0xb5: {  	[dreg:$0x4] =	wrdreg s4  }
0xb6: {  	[dreg:$0x5] =	wrdreg s5  }
0xb7: {  	[dreg:$0x6] =	wrdreg s6  }
0xb8: {  	[dreg:$0x7] =	wrdreg s18  }
0xb9: {  	[dreg:$0x8] =	wrdreg s7  }
0xba: {  	[dreg:$0x9] =	wrdreg $0x9  }
0xbb: {  	_ =	task.clear_ibuf [dreg:s12], $0xAFFFF;
	_ =	strace $0x90000046  }
0xbc: {  	s29 =	simm.s32 $0x9;
	_ =	strace $0x80000048  }
0xbd: {  	_ =	swait.ge [sflag:s29], $0x1  }
0xbe: {  	[sflag:s29] =	ssyncadd.s32 $0xFFFFFFFF  }
0xbf: {  	_ =	strace $0x90000048  }
0xc0: {  	_ =	sfence  }
0xc1: {  	s30 =	sld [smem:$0x0];
	_ =	sdelay $0x2  }
0xc2: {  	s31 =	sshll.u32 s1, $0xD;
	s1 =	sshrl.u32 s1, $0x2  }
0xc3: {  	s3 =	sand.u32 $0x4000, s31;
	s1 =	sadd.s32 s1, s30  }
0xc4: {  	s0 =	sor.u32 s3, s0;
	s1 =	sshll.u32 s1, $0x11  }
0xc5: {  	s0 =	sor.u32 s1, s0  }
0xc6: {  	s0 =	sadd.s32 $0x8F2B, s0  }
0xc7: {  	[sflag:s0] =	ssyncadd.remote.s32 $0x1  }
0xc8: {  	_ =	sfence.sel $0xFFFF  }
0xc9: {  	[dreg:$0x0] =	wrdreg $0xFFFFFFFF;
	(pc) =	sbr.abs _section_cstart, $3  }
0xca: {  	[dreg:$0x1] =	wrdreg $0xFFFFFFFF  }
0xcb: {  	_ =	task.clear_ibuf [dreg:s12], $0x2FFFF;
	_ =	strace $0x9FFFFFFF  }
0xcc: {  	(tm) =	ssettm $0x7FFFFFFF  }
0xcd: {  	_ =	shalt  }
tec
execute0_lowered:
.L_overlay_start_1:
0x0: {  	(tag) =	ssettag $0x1  }
0x1: {  	s1 =	rddreg [dreg:$0x0]  }
0x2: {  	s4 =	rddreg [dreg:$0x1]  }
0x3: {  	s0 =	rddreg [dreg:$0x2]  }
0x4: {  	s2 =	rddreg [dreg:$0x3]  }
0x5: {  	s3 =	rddreg [dreg:$0x4];
	s5 =	srdreg.scid  }
0x6: {  	s6 =	stileid.u32;
	s10 =	rddreg [dreg:$0x6]  }
0x7: {  	s17 =	simm.s32 $0x6;
	s28 =	simm.s32 $0x6880;
	s29 =	simm.s32 $0x4880  }
0x8: {  	s30 =	simm.s32 $0x8880;
	s31 =	simm.s32 $0x1;
	s18 =	simm.s32 $0x1B880  }
0x9: {  	s19 =	simm.s32 $0x4;
	s5 =	sand.u32 $0x1, s5;
	s7 =	sshll.u32 s6, $0x1  }
0xa: {  	s6 =	simm.s32 $0x0;
	s8 =	sadd.s32 $0x8C000, s1;
	s11 =	sor.u32 s5, s7  }
0xb: {  	[smem:$0x7FF] =	sst s6;
	s5 =	ssub.s32 $0x2, s5;
	s7 =	sshll.u32 s11, $0x7  }
0xc: {  	_ =	strace $0x80000047;
	s21 =	sshll.u32 s11, $0xA;
	s9 =	sshll.u32 s11, $0xE  }
0xd: {  	s14 =	sshrl.u32 s5, $0x1;
	s24 =	sshll.u32 s11, $0x2;
	s25 =	sshll.u32 s11, $0x9  }
0xe: {  	s12 =	sadd.s32 s7, s1;
	s13 =	sadd.s32 s21, s1;
	s7 =	sadd.s32 $0xC000, s1  }
0xf: {  	s1 =	sadd.s32 s9, s1;
	s5 =	ssub.s32 s5, s14;
	s4 =	sadd.s32 s4, s24  }
0x10: {  	s24 =	simm.s32 $0xA880;
	s22 =	sadd.s32 $0x2000, s12;
	[dreg:$0xb] =	wrdreg s4  }
0x11: {  	s21 =	simm.s32 $0x2;
	s12 =	sadd.s32 $0x3000, s12;
	[dreg:$0x8] =	wrdreg s22  }
0x12: {  	s23 =	sadd.s32 $0x4000, s13;
	s14 =	sadd.s32 $0x10C000, s1;
	[dreg:$0x9] =	wrdreg s12  }
0x13: {  	s1 =	sadd.s32 s10, s25;
	s26 =	smax.u32 s5, $0x1;
	[dreg:$0xa] =	wrdreg s23  }
0x14: {  	s25 =	simm.s32 $0x40;
	s4 =	simm.s32 $0x12880;
	[dreg:$0xc] =	wrdreg s1  }
0x15: {  	s5 =	simm.s32 $0x1A880;
	[dreg:$0xd] =	wrdreg s26;
	s23 =	simm.s32 $0x100  }
0x16: {  	s26 =	simm.s32 $0x2880;
	s1 =	simm.s32 $0x3;
	s22 =	simm.s32 $0x0  }
.LBB2_1:
0x17: {  	s10 =	rddreg [dreg:$0x8]  }
0x18: {  	[tilespmem:s6], [sflag:$0x6] =	stream.linear.gather [hbm4b:s10+s6], $0x400, $0x38;
	[tilespmem:$0x1D880] =	vst v63  }
0x19: {  	_ =	swait.ge [sflag:s17], $0x400  }
0x1a: {  	[sflag:s17] =	ssyncset.done $0x0  }
0x1b: {  	s11 =	simm.s32 $0x400;
	s12 =	rddreg [dreg:$0x9];
	[sflag:s17] =	ssyncadd.s32 $0xFFFFFC00  }
0x1c: {  	[tilespmem:s11], [sflag:$0x6] =	stream.linear.gather [hbm4b:s12+s6], $0x400, $0x38;
	[tilespmem:$0x1D880] =	vst v63  }
0x1d: {  	_ =	swait.ge [sflag:s17], $0x400  }
0x1e: {  	[sflag:s17] =	ssyncset.done $0x0  }
0x1f: {  	s12 =	simm.s32 $0x800;
	s13 =	rddreg [dreg:$0xa];
	[sflag:s17] =	ssyncadd.s32 $0xFFFFFC00  }
0x20: {  	[tilespmem:s12], [sflag:$0x6] =	stream.linear.gather [hbm4b:s13+s6], $0x2000, $0x38;
	[tilespmem:$0x1D880] =	vst v63  }
0x21: {  	_ =	swait.ge [sflag:s17], $0x2000  }
0x22: {  	[sflag:s17] =	ssyncset.done $0x0  }
0x23: {  	s13 =	simm.s32 $0x2800;
	s15 =	rddreg [dreg:$0xb];
	[sflag:s17] =	ssyncadd.s32 $0xFFFFE000  }
0x24: {  	[tilespmem:s13], [sflag:$0x6] =	stream.linear.gather [hbm4b:s15+s6], $0x20, $0x38;
	[tilespmem:$0x1D880] =	vst v63  }
0x25: {  	_ =	swait.ge [sflag:s17], $0x20  }
0x26: {  	[sflag:s17] =	ssyncset.done $0x0  }
0x27: {  	[sflag:s17] =	ssyncadd.s32 $0xFFFFFFE0  }
0x28: {  	s16 =	simm.s32 $0x1C880;
	s15 =	simm.s32 $0x20;
	s20 =	rddreg [dreg:$0x5]  }
0x29: {  	[tilespmem:s16], [sflag:$0x5] =	stream.indirect.gather [hbm4b:s20+s15], $0x80, s13, s15, $0xb8;
	[tilespmem:$0x1D880] =	vst v63  }
0x2a: {  	_ = 	snop  }
0x2b: {  	[tilespmem:s24], [sflag:$0x3] =	stream.indirect.gather [hbm4b:s3+s23], $0x80, s12, s23, $0xb8;
	[tilespmem:$0x1D880] =	vst v63  }
0x2c: {  	_ = 	snop  }
0x2d: {  	[tilespmem:s26], [sflag:$0x1] =	stream.indirect.gather [hbm4b:s0+s25], $0x80, s6, s25, $0xb8;
	[tilespmem:$0x1D880] =	vst v63  }
0x2e: {  	s10 =	simm.s32 $0x0  }
0x2f: {  	[tilespmem:s28], [sflag:$0x1] =	stream.indirect.gather [hbm4b:s2+s25], $0x80, s11, s25, $0xb8;
	[tilespmem:$0x1D880] =	vst v63  }
.LBB2_2:
0x30: {  	p0 =	slt.u32 s10, $0x8  }
.Ltmp0:
0x31: {  	_ = 	snop;
	(pc) =	sbr.rel @!p0 .LBB2_3-.Ltmp0, $2  }
0x32: {  	_ =	sdelay $0x2  }
0x33: {  	s11 =	sshll.u32 s10, $0x1  }
0x34: {  	p0 =	seq.s32 s10, $0x0  }
0x35: {  	s12 =	simm.s32 @!p0 $0x2  }
0x36: {  	_ =	swait.ge @!p0 [sflag:s12], $0x2000  }
0x37: {  	[sflag:s12] =	ssyncset.done @!p0 $0x0  }
0x38: {  	[sflag:s12] =	ssyncadd.s32 @!p0 $0xFFFFE000  }
0x39: {  	_ =	swait.ge @!p0 [sflag:s12], $0x2000  }
0x3a: {  	s13 =	sshll.u32 s10, $0x7;
	[sflag:s12] =	ssyncset.done @!p0 $0x0  }
0x3b: {  	s20 =	sor.u32 $0x40, s13;
	[sflag:s12] =	ssyncadd.s32 @!p0 $0xFFFFE000  }
0x3c: {  	[tilespmem:s29], [sflag:$0x1] =	stream.indirect.gather [hbm4b:s0+s25], $0x80, s20, s25, $0xb8;
	[tilespmem:$0x1D880] =	vst v63  }
0x3d: {  	s13 =	sadd.s32 $0x440, s13  }
0x3e: {  	[tilespmem:s30], [sflag:$0x1] =	stream.indirect.gather [hbm4b:s2+s25], $0x80, s13, s25, $0xb8;
	[tilespmem:$0x1D880] =	vst v63  }
0x3f: {  	_ =	swait.ge [sflag:s31], $0x2000  }
0x40: {  	[sflag:s31] =	ssyncset.done $0x0  }
0x41: {  	[sflag:s31] =	ssyncadd.s32 $0xFFFFE000  }
0x42: {  	s15 =	sshll.u32 s10, $0xB;
	_ =	swait.ge [sflag:s31], $0x2000  }
0x43: {  	s12 =	sor.u32 s9, s15;
	[sflag:s31] =	ssyncset.done $0x0  }
0x44: {  	s16 =	sadd.s32 s7, s12;
	[sflag:s31] =	ssyncadd.s32 $0xFFFFE000  }
0x45: {  	[hbm4b:s16+s6] =	stream.linear.scatter [tilespmem:s26], [sflag:$0x2], $0x2000, $0x38;
	[tilespmem:$0x1D880] =	vst v63  }
0x46: {  	s12 =	sadd.s32 s8, s12  }
0x47: {  	[hbm4b:s12+s6] =	stream.linear.scatter [tilespmem:s28], [sflag:$0x2], $0x2000, $0x38;
	[tilespmem:$0x1D880] =	vst v63  }
.Ltmp1:
0x48: {  	s11 =	sor.u32 $0x1, s11;
	(pc) =	sbr.rel @!p0 .LBB2_4-.Ltmp1, $4  }
0x49: {  	s12 =	sshll.u32 s11, $0xA  }
0x4a: {  	s20 =	sshrl.u32 s12, $0x2  }
0x4b: {  	s13 =	sadd.s32 $0x800, s20  }
0x4c: {  	[tilespmem:s4], [sflag:$0x3] =	stream.indirect.gather [hbm4b:s3+s23], $0x80, s13, s23, $0xb8;
	[tilespmem:$0x1D880] =	vst v63  }
.Ltmp2:
0x4d: {  	(pc) =	sbr.rel .LBB2_7-.Ltmp2, $2  }
0x4e: {  	_ =	sdelay $0x2  }
0x4f: {  	p0 =	por $0x1, $0x1  }
.LBB2_3:
0x50: {  	s11 =	sor.u32 $0x1, s11  }
0x51: {  	s12 =	sshll.u32 s11, $0xA  }
0x52: {  	s13 =	sshrl.u32 s12, $0x2  }
0x53: {  	s13 =	sadd.s32 $0x800, s13  }
0x54: {  	[tilespmem:s4], [sflag:$0x3] =	stream.indirect.gather [hbm4b:s3+s23], $0x80, s13, s23, $0xb8;
	[tilespmem:$0x1D880] =	vst v63  }
.LBB2_4:
0x55: {  	_ =	swait.ge [sflag:s19], $0x1000  }
0x56: {  	[sflag:s19] =	ssyncset.done $0x0  }
0x57: {  	p0 =	por $0x0, $0x0;
	[sflag:s19] =	ssyncadd.s32 $0xFFFFF000  }
.LBB2_7:
0x58: {  	_ =	swait.ge [sflag:s1], $0x8000  }
0x59: {  	[sflag:s1] =	ssyncset.done $0x0  }
0x5a: {  	s13 =	simm.s32 $0xAA80;
	[sflag:s1] =	ssyncadd.s32 $0xFFFF8000  }
0x5b: {  	v0 =	vld [tilespmem:s13+$0xFFFFFE80]  }
0x5c: {  	v1 =	vld [tilespmem:s13+$0xFFFFFE00];
	_ =	sdelay $0x1  }
0x5d: {  	v2 =	vld [tilespmem:s13+$0xFFFFFF00];
	_ =	sdelay $0x1  }
0x5e: {  	v3 =	vld [tilespmem:s13+$0xFFFFFF80]  }
0x5f: {  	v0 =	vadd.f32 v0, v1  }
0x60: {  	v1 =	vld [tilespmem:s13+$0x0]  }
0x61: {  	v0 =	vadd.f32 v2, v0  }
0x62: {  	v2 =	vld [tilespmem:s13+$0x80]  }
0x63: {  	v0 =	vadd.f32 v3, v0  }
0x64: {  	v3 =	vld [tilespmem:s13+$0x100]  }
0x65: {  	v0 =	vadd.f32 v1, v0  }
0x66: {  	v1 =	vld [tilespmem:s13+$0x180]  }
0x67: {  	v0 =	vadd.f32 v2, v0;
	_ =	sdelay $0x1  }
0x68: {  	v0 =	vadd.f32 v3, v0;
	_ =	sdelay $0x1  }
0x69: {  	v0 =	vadd.f32 v1, v0  }
0x6a: {  	s15 =	simm.s32 $0x0  }
0x6b: {  	[tilespmem:s15+$0x1A880] =	vst v0  }
0x6c: {  	v0 =	vld [tilespmem:s13+$0xFFFFFE10]  }
0x6d: {  	v1 =	vld [tilespmem:s13+$0xFFFFFE90];
	_ =	sdelay $0x1  }
0x6e: {  	v2 =	vld [tilespmem:s13+$0xFFFFFF10];
	_ =	sdelay $0x1  }
0x6f: {  	v3 =	vld [tilespmem:s13+$0xFFFFFF90]  }
0x70: {  	v0 =	vadd.f32 v1, v0  }
0x71: {  	v1 =	vld [tilespmem:s13+$0x10]  }
0x72: {  	v0 =	vadd.f32 v2, v0  }
0x73: {  	v2 =	vld [tilespmem:s13+$0x90]  }
0x74: {  	v0 =	vadd.f32 v3, v0  }
0x75: {  	v3 =	vld [tilespmem:s13+$0x110]  }
0x76: {  	v0 =	vadd.f32 v1, v0  }
0x77: {  	v1 =	vld [tilespmem:s13+$0x190]  }
0x78: {  	v0 =	vadd.f32 v2, v0;
	_ =	sdelay $0x1  }
0x79: {  	v0 =	vadd.f32 v3, v0;
	_ =	sdelay $0x1  }
0x7a: {  	v0 =	vadd.f32 v1, v0;
	_ =	sdelay $0x1  }
0x7b: {  	[tilespmem:s15+$0x1A890] =	vst v0  }
0x7c: {  	v0 =	vld [tilespmem:s13+$0xFFFFFE20]  }
0x7d: {  	v1 =	vld [tilespmem:s13+$0xFFFFFEA0];
	_ =	sdelay $0x1  }
0x7e: {  	v2 =	vld [tilespmem:s13+$0xFFFFFF20];
	_ =	sdelay $0x1  }
0x7f: {  	v3 =	vld [tilespmem:s13+$0xFFFFFFA0]  }
0x80: {  	v0 =	vadd.f32 v1, v0  }
0x81: {  	v1 =	vld [tilespmem:s13+$0x20]  }
0x82: {  	v0 =	vadd.f32 v2, v0  }
0x83: {  	v2 =	vld [tilespmem:s13+$0xA0]  }
0x84: {  	v0 =	vadd.f32 v3, v0  }
0x85: {  	v3 =	vld [tilespmem:s13+$0x120]  }
0x86: {  	v0 =	vadd.f32 v1, v0  }
0x87: {  	v1 =	vld [tilespmem:s13+$0x1A0]  }
0x88: {  	v0 =	vadd.f32 v2, v0;
	_ =	sdelay $0x1  }
0x89: {  	v0 =	vadd.f32 v3, v0;
	_ =	sdelay $0x1  }
0x8a: {  	v0 =	vadd.f32 v1, v0;
	_ =	sdelay $0x1  }
0x8b: {  	[tilespmem:s15+$0x1A8A0] =	vst v0  }
0x8c: {  	v0 =	vld [tilespmem:s13+$0xFFFFFE30]  }
0x8d: {  	v1 =	vld [tilespmem:s13+$0xFFFFFEB0];
	_ =	sdelay $0x1  }
0x8e: {  	v2 =	vld [tilespmem:s13+$0xFFFFFF30];
	_ =	sdelay $0x1  }
0x8f: {  	v3 =	vld [tilespmem:s13+$0xFFFFFFB0]  }
0x90: {  	v0 =	vadd.f32 v1, v0  }
0x91: {  	v1 =	vld [tilespmem:s13+$0x30]  }
0x92: {  	v0 =	vadd.f32 v2, v0  }
0x93: {  	v2 =	vld [tilespmem:s13+$0xB0]  }
0x94: {  	v0 =	vadd.f32 v3, v0  }
0x95: {  	v3 =	vld [tilespmem:s13+$0x130]  }
0x96: {  	v0 =	vadd.f32 v1, v0  }
0x97: {  	v1 =	vld [tilespmem:s13+$0x1B0]  }
0x98: {  	v0 =	vadd.f32 v2, v0;
	_ =	sdelay $0x1  }
0x99: {  	v0 =	vadd.f32 v3, v0;
	_ =	sdelay $0x1  }
0x9a: {  	v0 =	vadd.f32 v1, v0;
	_ =	sdelay $0x1  }
0x9b: {  	[tilespmem:s15+$0x1A8B0] =	vst v0  }
0x9c: {  	v0 =	vld [tilespmem:s13+$0xFFFFFE40]  }
0x9d: {  	v1 =	vld [tilespmem:s13+$0xFFFFFEC0];
	_ =	sdelay $0x1  }
0x9e: {  	v2 =	vld [tilespmem:s13+$0xFFFFFF40];
	_ =	sdelay $0x1  }
0x9f: {  	v3 =	vld [tilespmem:s13+$0xFFFFFFC0]  }
0xa0: {  	v0 =	vadd.f32 v1, v0  }
0xa1: {  	v1 =	vld [tilespmem:s13+$0x40]  }
0xa2: {  	v0 =	vadd.f32 v2, v0  }
0xa3: {  	v2 =	vld [tilespmem:s13+$0xC0]  }
0xa4: {  	v0 =	vadd.f32 v3, v0  }
0xa5: {  	v3 =	vld [tilespmem:s13+$0x140]  }
0xa6: {  	v0 =	vadd.f32 v1, v0  }
0xa7: {  	v1 =	vld [tilespmem:s13+$0x1C0]  }
0xa8: {  	v0 =	vadd.f32 v2, v0;
	_ =	sdelay $0x1  }
0xa9: {  	v0 =	vadd.f32 v3, v0;
	_ =	sdelay $0x1  }
0xaa: {  	v0 =	vadd.f32 v1, v0;
	_ =	sdelay $0x1  }
0xab: {  	[tilespmem:s15+$0x1A8C0] =	vst v0  }
0xac: {  	v0 =	vld [tilespmem:s13+$0xFFFFFE50]  }
0xad: {  	v1 =	vld [tilespmem:s13+$0xFFFFFED0];
	_ =	sdelay $0x1  }
0xae: {  	v2 =	vld [tilespmem:s13+$0xFFFFFF50];
	_ =	sdelay $0x1  }
0xaf: {  	v3 =	vld [tilespmem:s13+$0xFFFFFFD0]  }
0xb0: {  	v0 =	vadd.f32 v1, v0  }
0xb1: {  	v1 =	vld [tilespmem:s13+$0x50]  }
0xb2: {  	v0 =	vadd.f32 v2, v0  }
0xb3: {  	v2 =	vld [tilespmem:s13+$0xD0]  }
0xb4: {  	v0 =	vadd.f32 v3, v0  }
0xb5: {  	v3 =	vld [tilespmem:s13+$0x150]  }
0xb6: {  	v0 =	vadd.f32 v1, v0  }
0xb7: {  	v1 =	vld [tilespmem:s13+$0x1D0]  }
0xb8: {  	v0 =	vadd.f32 v2, v0;
	_ =	sdelay $0x1  }
0xb9: {  	v0 =	vadd.f32 v3, v0;
	_ =	sdelay $0x1  }
0xba: {  	v0 =	vadd.f32 v1, v0;
	_ =	sdelay $0x1  }
0xbb: {  	[tilespmem:s15+$0x1A8D0] =	vst v0  }
0xbc: {  	v0 =	vld [tilespmem:s13+$0xFFFFFE60]  }
0xbd: {  	v1 =	vld [tilespmem:s13+$0xFFFFFEE0];
	_ =	sdelay $0x1  }
0xbe: {  	v2 =	vld [tilespmem:s13+$0xFFFFFF60];
	_ =	sdelay $0x1  }
0xbf: {  	v3 =	vld [tilespmem:s13+$0xFFFFFFE0]  }
0xc0: {  	v0 =	vadd.f32 v1, v0  }
0xc1: {  	v1 =	vld [tilespmem:s13+$0x60]  }
0xc2: {  	v0 =	vadd.f32 v2, v0  }
0xc3: {  	v2 =	vld [tilespmem:s13+$0xE0]  }
0xc4: {  	v0 =	vadd.f32 v3, v0  }
0xc5: {  	v3 =	vld [tilespmem:s13+$0x160]  }
0xc6: {  	v0 =	vadd.f32 v1, v0  }
0xc7: {  	v1 =	vld [tilespmem:s13+$0x1E0]  }
0xc8: {  	v0 =	vadd.f32 v2, v0;
	_ =	sdelay $0x1  }
0xc9: {  	v0 =	vadd.f32 v3, v0;
	_ =	sdelay $0x1  }
0xca: {  	v0 =	vadd.f32 v1, v0;
	_ =	sdelay $0x1  }
0xcb: {  	[tilespmem:s15+$0x1A8E0] =	vst v0  }
0xcc: {  	v0 =	vld [tilespmem:s13+$0xFFFFFE70]  }
0xcd: {  	v1 =	vld [tilespmem:s13+$0xFFFFFEF0];
	_ =	sdelay $0x1  }
0xce: {  	v2 =	vld [tilespmem:s13+$0xFFFFFF70];
	_ =	sdelay $0x1  }
0xcf: {  	v4 =	vld [tilespmem:s13+$0xFFFFFFF0]  }
0xd0: {  	v1 =	vadd.f32 v1, v0  }
0xd1: {  	v3 =	vld [tilespmem:s13+$0x70]  }
0xd2: {  	v0 =	vld [tilespmem:s13+$0xF0];
	v5 =	vadd.f32 v2, v1  }
0xd3: {  	v1 =	vld [tilespmem:s13+$0x170]  }
0xd4: {  	s16 =	simm.s32 $0x200;
	v2 =	vld [tilespmem:s13+$0x1F0];
	v4 =	vadd.f32 v4, v5  }
.LBB2_8:
0xd5: {  	p1 =	sne.s32 s16, $0x3E00  }
0xd6: {  	s13 =	sadd.s32 $0x400, s13;
	s20 =	smov.u32 s16;
	s16 =	sadd.s32 $0x200, s16;
	v3 =	vadd.f32 v3, v4  }
0xd7: {  	_ = 	snop  }
0xd8: {  	v0 =	vadd.f32 v0, v3;
	_ =	sdelay $0x1  }
0xd9: {  	v0 =	vadd.f32 v1, v0;
	_ =	sdelay $0x1  }
0xda: {  	v0 =	vadd.f32 v2, v0;
	_ =	sdelay $0x1  }
0xdb: {  	[tilespmem:s15+$0x1A8F0] =	vst v0  }
0xdc: {  	v0 =	vld [tilespmem:s13+$0xFFFFFE80]  }
0xdd: {  	v1 =	vld [tilespmem:s13+$0xFFFFFE00]  }
0xde: {  	v2 =	vld [tilespmem:s13+$0xFFFFFF00];
	_ =	sdelay $0x2  }
0xdf: {  	v3 =	vld [tilespmem:s13+$0xFFFFFF80]  }
0xe0: {  	v0 =	vadd.f32 v0, v1  }
0xe1: {  	v1 =	vld [tilespmem:s13+$0x0]  }
0xe2: {  	v0 =	vadd.f32 v2, v0  }
0xe3: {  	v2 =	vld [tilespmem:s13+$0x80]  }
0xe4: {  	v0 =	vadd.f32 v3, v0  }
0xe5: {  	v3 =	vld [tilespmem:s13+$0x100]  }
0xe6: {  	v0 =	vadd.f32 v1, v0  }
0xe7: {  	v1 =	vld [tilespmem:s13+$0x180]  }
0xe8: {  	v0 =	vadd.f32 v2, v0;
	_ =	sdelay $0x1  }
0xe9: {  	v0 =	vadd.f32 v3, v0;
	_ =	sdelay $0x1  }
0xea: {  	v0 =	vadd.f32 v1, v0  }
0xeb: {  	s15 =	sshra.s32 s20, $0x2  }
0xec: {  	[tilespmem:s15+$0x1A880] =	vst v0  }
0xed: {  	v0 =	vld [tilespmem:s13+$0xFFFFFE10]  }
0xee: {  	v1 =	vld [tilespmem:s13+$0xFFFFFE90];
	_ =	sdelay $0x1  }
0xef: {  	v2 =	vld [tilespmem:s13+$0xFFFFFF10];
	_ =	sdelay $0x1  }
0xf0: {  	v3 =	vld [tilespmem:s13+$0xFFFFFF90]  }
0xf1: {  	v0 =	vadd.f32 v1, v0  }
0xf2: {  	v1 =	vld [tilespmem:s13+$0x10]  }
0xf3: {  	v0 =	vadd.f32 v2, v0  }
0xf4: {  	v2 =	vld [tilespmem:s13+$0x90]  }
0xf5: {  	v0 =	vadd.f32 v3, v0  }
0xf6: {  	v3 =	vld [tilespmem:s13+$0x110]  }
0xf7: {  	v0 =	vadd.f32 v1, v0  }
0xf8: {  	v1 =	vld [tilespmem:s13+$0x190]  }
0xf9: {  	v0 =	vadd.f32 v2, v0;
	_ =	sdelay $0x1  }
0xfa: {  	v0 =	vadd.f32 v3, v0;
	_ =	sdelay $0x1  }
0xfb: {  	v0 =	vadd.f32 v1, v0;
	_ =	sdelay $0x1  }
0xfc: {  	[tilespmem:s15+$0x1A890] =	vst v0  }
0xfd: {  	v0 =	vld [tilespmem:s13+$0xFFFFFE20]  }
0xfe: {  	v1 =	vld [tilespmem:s13+$0xFFFFFEA0];
	_ =	sdelay $0x1  }
0xff: {  	v2 =	vld [tilespmem:s13+$0xFFFFFF20];
	_ =	sdelay $0x1  }
0x100: {  	v3 =	vld [tilespmem:s13+$0xFFFFFFA0]  }
0x101: {  	v0 =	vadd.f32 v1, v0  }
0x102: {  	v1 =	vld [tilespmem:s13+$0x20]  }
0x103: {  	v0 =	vadd.f32 v2, v0  }
0x104: {  	v2 =	vld [tilespmem:s13+$0xA0]  }
0x105: {  	v0 =	vadd.f32 v3, v0  }
0x106: {  	v3 =	vld [tilespmem:s13+$0x120]  }
0x107: {  	v0 =	vadd.f32 v1, v0  }
0x108: {  	v1 =	vld [tilespmem:s13+$0x1A0]  }
0x109: {  	v0 =	vadd.f32 v2, v0;
	_ =	sdelay $0x1  }
0x10a: {  	v0 =	vadd.f32 v3, v0;
	_ =	sdelay $0x1  }
0x10b: {  	v0 =	vadd.f32 v1, v0;
	_ =	sdelay $0x1  }
0x10c: {  	[tilespmem:s15+$0x1A8A0] =	vst v0  }
0x10d: {  	v0 =	vld [tilespmem:s13+$0xFFFFFE30]  }
0x10e: {  	v1 =	vld [tilespmem:s13+$0xFFFFFEB0];
	_ =	sdelay $0x1  }
0x10f: {  	v2 =	vld [tilespmem:s13+$0xFFFFFF30];
	_ =	sdelay $0x1  }
0x110: {  	v3 =	vld [tilespmem:s13+$0xFFFFFFB0]  }
0x111: {  	v0 =	vadd.f32 v1, v0  }
0x112: {  	v1 =	vld [tilespmem:s13+$0x30]  }
0x113: {  	v0 =	vadd.f32 v2, v0  }
0x114: {  	v2 =	vld [tilespmem:s13+$0xB0]  }
0x115: {  	v0 =	vadd.f32 v3, v0  }
0x116: {  	v3 =	vld [tilespmem:s13+$0x130]  }
0x117: {  	v0 =	vadd.f32 v1, v0  }
0x118: {  	v1 =	vld [tilespmem:s13+$0x1B0]  }
0x119: {  	v0 =	vadd.f32 v2, v0;
	_ =	sdelay $0x1  }
0x11a: {  	v0 =	vadd.f32 v3, v0;
	_ =	sdelay $0x1  }
0x11b: {  	v0 =	vadd.f32 v1, v0;
	_ =	sdelay $0x1  }
0x11c: {  	[tilespmem:s15+$0x1A8B0] =	vst v0  }
0x11d: {  	v0 =	vld [tilespmem:s13+$0xFFFFFE40]  }
0x11e: {  	v1 =	vld [tilespmem:s13+$0xFFFFFEC0];
	_ =	sdelay $0x1  }
0x11f: {  	v2 =	vld [tilespmem:s13+$0xFFFFFF40];
	_ =	sdelay $0x1  }
0x120: {  	v3 =	vld [tilespmem:s13+$0xFFFFFFC0]  }
0x121: {  	v0 =	vadd.f32 v1, v0  }
0x122: {  	v1 =	vld [tilespmem:s13+$0x40]  }
0x123: {  	v0 =	vadd.f32 v2, v0  }
0x124: {  	v2 =	vld [tilespmem:s13+$0xC0]  }
0x125: {  	v0 =	vadd.f32 v3, v0  }
0x126: {  	v3 =	vld [tilespmem:s13+$0x140]  }
0x127: {  	v0 =	vadd.f32 v1, v0  }
0x128: {  	v1 =	vld [tilespmem:s13+$0x1C0]  }
0x129: {  	v0 =	vadd.f32 v2, v0;
	_ =	sdelay $0x1  }
0x12a: {  	v0 =	vadd.f32 v3, v0;
	_ =	sdelay $0x1  }
0x12b: {  	v0 =	vadd.f32 v1, v0;
	_ =	sdelay $0x1  }
0x12c: {  	[tilespmem:s15+$0x1A8C0] =	vst v0  }
0x12d: {  	v0 =	vld [tilespmem:s13+$0xFFFFFE50]  }
0x12e: {  	v1 =	vld [tilespmem:s13+$0xFFFFFED0]  }
0x12f: {  	v2 =	vld [tilespmem:s13+$0xFFFFFF50]  }
0x130: {  	v3 =	vld [tilespmem:s13+$0xFFFFFFD0]  }
0x131: {  	v4 =	vld [tilespmem:s13+$0x50]  }
0x132: {  	v5 =	vld [tilespmem:s13+$0xD0]  }
0x133: {  	v0 =	vadd.f32 v1, v0;
	v1 =	vld [tilespmem:s13+$0x150]  }
0x134: {  	v6 =	vld [tilespmem:s13+$0x1D0]  }
0x135: {  	v0 =	vadd.f32 v2, v0;
	_ =	sdelay $0x1  }
0x136: {  	v0 =	vadd.f32 v3, v0;
	_ =	sdelay $0x1  }
0x137: {  	v0 =	vadd.f32 v4, v0;
	_ =	sdelay $0x1  }
0x138: {  	v0 =	vadd.f32 v5, v0;
	_ =	sdelay $0x1  }
0x139: {  	v0 =	vadd.f32 v1, v0;
	_ =	sdelay $0x1  }
0x13a: {  	v0 =	vadd.f32 v6, v0;
	_ =	sdelay $0x1  }
0x13b: {  	[tilespmem:s15+$0x1A8D0] =	vst v0  }
0x13c: {  	v0 =	vld [tilespmem:s13+$0xFFFFFE60]  }
0x13d: {  	v1 =	vld [tilespmem:s13+$0xFFFFFEE0]  }
0x13e: {  	v2 =	vld [tilespmem:s13+$0xFFFFFF60]  }
0x13f: {  	v3 =	vld [tilespmem:s13+$0xFFFFFFE0]  }
0x140: {  	v4 =	vld [tilespmem:s13+$0x60]  }
0x141: {  	v5 =	vld [tilespmem:s13+$0xE0]  }
0x142: {  	v0 =	vadd.f32 v1, v0;
	v1 =	vld [tilespmem:s13+$0x160]  }
0x143: {  	v6 =	vld [tilespmem:s13+$0x1E0]  }
0x144: {  	v0 =	vadd.f32 v2, v0;
	_ =	sdelay $0x1  }
0x145: {  	v0 =	vadd.f32 v3, v0;
	_ =	sdelay $0x1  }
0x146: {  	v0 =	vadd.f32 v4, v0;
	_ =	sdelay $0x1  }
0x147: {  	v0 =	vadd.f32 v5, v0;
	_ =	sdelay $0x1  }
0x148: {  	v0 =	vadd.f32 v1, v0;
	_ =	sdelay $0x1  }
0x149: {  	v0 =	vadd.f32 v6, v0;
	_ =	sdelay $0x1  }
0x14a: {  	[tilespmem:s15+$0x1A8E0] =	vst v0  }
0x14b: {  	v1 =	vld [tilespmem:s13+$0xFFFFFE70]  }
0x14c: {  	v2 =	vld [tilespmem:s13+$0xFFFFFEF0]  }
0x14d: {  	v4 =	vld [tilespmem:s13+$0xFFFFFF70]  }
0x14e: {  	v5 =	vld [tilespmem:s13+$0xFFFFFFF0]  }
0x14f: {  	v3 =	vld [tilespmem:s13+$0x70]  }
0x150: {  	v0 =	vld [tilespmem:s13+$0xF0]  }
.Ltmp3:
0x151: {  	v6 =	vadd.f32 v2, v1;
	v1 =	vld [tilespmem:s13+$0x170];
	(pc) =	sbr.rel @p1 .LBB2_8-.Ltmp3, $3  }
0x152: {  	v2 =	vld [tilespmem:s13+$0x1F0]  }
0x153: {  	v4 =	vadd.f32 v4, v6;
	_ =	sdelay $0x1  }
0x154: {  	v4 =	vadd.f32 v5, v4  }
0x155: {  	_ = 	snop  }
0x156: {  	v3 =	vadd.f32 v3, v4;
	_ =	sdelay $0x1  }
0x157: {  	v0 =	vadd.f32 v0, v3;
	_ =	sdelay $0x1  }
0x158: {  	p1 =	sgt.u32 s10, $0x7;
	v0 =	vadd.f32 v1, v0  }
.Ltmp4:
0x159: {  	_ = 	snop;
	(pc) =	sbr.rel @p1 .LBB2_11-.Ltmp4, $4  }
0x15a: {  	v0 =	vadd.f32 v2, v0  }
0x15b: {  	s13 =	sshll.u32 s10, $0xA  }
0x15c: {  	s13 =	sadd.s32 s13, s14;
	[tilespmem:s15+$0x1A8F0] =	vst v0  }
0x15d: {  	[hbm4b:s13+s6] =	stream.linear.scatter [tilespmem:s5], [sflag:$0x4], $0x1000, $0x38;
	[tilespmem:$0x1D880] =	vst v63  }
0x15e: {  	_ =	swait.ge [sflag:s21], $0x2000  }
0x15f: {  	[sflag:s21] =	ssyncset.done $0x0  }
0x160: {  	[sflag:s21] =	ssyncadd.s32 $0xFFFFE000  }
0x161: {  	p1 =	seq.s32 s10, $0x7;
	_ =	swait.ge [sflag:s21], $0x2000  }
0x162: {  	s13 =	sshll.u32 @!p1 s10, $0x7;
	s16 =	simm.s32 @!p1 $0x40;
	[sflag:s21] =	ssyncset.done $0x0  }
0x163: {  	s20 =	simm.s32 @!p1 $0x2880;
	s15 =	sadd.s32 @!p1 $0x80, s13;
	[sflag:s21] =	ssyncadd.s32 $0xFFFFE000  }
0x164: {  	[tilespmem:s20], [sflag:$0x1] =	stream.indirect.gather @!p1 [hbm4b:s0+s16], $0x80, s15, s16, $0xb8;
	[tilespmem:$0x1D880] =	vst v63  }
0x165: {  	s13 =	sadd.s32 @!p1 $0x480, s13;
	s15 =	simm.s32 @!p1 $0x6880  }
0x166: {  	[tilespmem:s15], [sflag:$0x1] =	stream.indirect.gather @!p1 [hbm4b:s2+s16], $0x80, s13, s16, $0xb8;
	[tilespmem:$0x1D880] =	vst v63  }
0x167: {  	_ =	swait.ge [sflag:s31], $0x2000  }
0x168: {  	[sflag:s31] =	ssyncset.done $0x0  }
0x169: {  	[sflag:s31] =	ssyncadd.s32 $0xFFFFE000  }
0x16a: {  	_ =	swait.ge [sflag:s31], $0x2000  }
.Ltmp5:
0x16b: {  	s12 =	sor.u32 s9, s12;
	[sflag:s31] =	ssyncset.done $0x0;
	(pc) =	sbr.rel .LBB2_12-.Ltmp5, $4  }
0x16c: {  	s20 =	sadd.s32 s7, s12;
	[sflag:s31] =	ssyncadd.s32 $0xFFFFE000  }
0x16d: {  	[hbm4b:s20+s6] =	stream.linear.scatter [tilespmem:s29], [sflag:$0x2], $0x2000, $0x38;
	[tilespmem:$0x1D880] =	vst v63  }
0x16e: {  	s12 =	sadd.s32 s8, s12  }
0x16f: {  	[hbm4b:s12+s6] =	stream.linear.scatter [tilespmem:s30], [sflag:$0x2], $0x2000, $0x38;
	[tilespmem:$0x1D880] =	vst v63  }
.LBB2_11:
0x170: {  	p1 =	seq.s32 s10, $0xF  }
.Ltmp6:
0x171: {  	_ = 	snop;
	(pc) =	sbr.rel @p1 .LBB2_13-.Ltmp6, $1  }
0x172: {  	_ =	sdelay $0x3  }
.LBB2_12:
0x173: {  	s12 =	sshll.u32 s10, $0x9  }
0x174: {  	s12 =	sand.u32 $0x3FFFFE00, s12  }
0x175: {  	s12 =	sadd.s32 $0xA00, s12  }
0x176: {  	[tilespmem:s24], [sflag:$0x3] =	stream.indirect.gather [hbm4b:s3+s23], $0x80, s12, s23, $0xb8;
	[tilespmem:$0x1D880] =	vst v63  }
.LBB2_13:
0x177: {  	s12 =	simm.s32 @!p0 $0x4  }
0x178: {  	_ =	swait.ge @!p0 [sflag:s12], $0x1000  }
0x179: {  	[sflag:s12] =	ssyncset.done @!p0 $0x0  }
0x17a: {  	[sflag:s12] =	ssyncadd.s32 @!p0 $0xFFFFF000  }
0x17b: {  	_ =	swait.ge [sflag:s1], $0x8000  }
0x17c: {  	[sflag:s1] =	ssyncset.done $0x0  }
0x17d: {  	s12 =	simm.s32 $0x12A80;
	[sflag:s1] =	ssyncadd.s32 $0xFFFF8000  }
0x17e: {  	v0 =	vld [tilespmem:s12+$0xFFFFFE80]  }
0x17f: {  	v1 =	vld [tilespmem:s12+$0xFFFFFE00];
	_ =	sdelay $0x1  }
0x180: {  	v2 =	vld [tilespmem:s12+$0xFFFFFF00];
	_ =	sdelay $0x1  }
0x181: {  	v3 =	vld [tilespmem:s12+$0xFFFFFF80]  }
0x182: {  	v0 =	vadd.f32 v0, v1  }
0x183: {  	v1 =	vld [tilespmem:s12+$0x0]  }
0x184: {  	v0 =	vadd.f32 v2, v0  }
0x185: {  	v2 =	vld [tilespmem:s12+$0x80]  }
0x186: {  	v0 =	vadd.f32 v3, v0  }
0x187: {  	v3 =	vld [tilespmem:s12+$0x100]  }
0x188: {  	v0 =	vadd.f32 v1, v0  }
0x189: {  	v1 =	vld [tilespmem:s12+$0x180]  }
0x18a: {  	v0 =	vadd.f32 v2, v0;
	_ =	sdelay $0x1  }
0x18b: {  	v0 =	vadd.f32 v3, v0;
	_ =	sdelay $0x1  }
0x18c: {  	v0 =	vadd.f32 v1, v0  }
0x18d: {  	s13 =	simm.s32 $0x0  }
0x18e: {  	[tilespmem:s13+$0x1B880] =	vst v0  }
0x18f: {  	v0 =	vld [tilespmem:s12+$0xFFFFFE10]  }
0x190: {  	v1 =	vld [tilespmem:s12+$0xFFFFFE90];
	_ =	sdelay $0x1  }
0x191: {  	v2 =	vld [tilespmem:s12+$0xFFFFFF10];
	_ =	sdelay $0x1  }
0x192: {  	v3 =	vld [tilespmem:s12+$0xFFFFFF90]  }
0x193: {  	v0 =	vadd.f32 v1, v0  }
0x194: {  	v1 =	vld [tilespmem:s12+$0x10]  }
0x195: {  	v0 =	vadd.f32 v2, v0  }
0x196: {  	v2 =	vld [tilespmem:s12+$0x90]  }
0x197: {  	v0 =	vadd.f32 v3, v0  }
0x198: {  	v3 =	vld [tilespmem:s12+$0x110]  }
0x199: {  	v0 =	vadd.f32 v1, v0  }
0x19a: {  	v1 =	vld [tilespmem:s12+$0x190]  }
0x19b: {  	v0 =	vadd.f32 v2, v0;
	_ =	sdelay $0x1  }
0x19c: {  	v0 =	vadd.f32 v3, v0;
	_ =	sdelay $0x1  }
0x19d: {  	v0 =	vadd.f32 v1, v0;
	_ =	sdelay $0x1  }
0x19e: {  	[tilespmem:s13+$0x1B890] =	vst v0  }
0x19f: {  	v0 =	vld [tilespmem:s12+$0xFFFFFE20]  }
0x1a0: {  	v1 =	vld [tilespmem:s12+$0xFFFFFEA0];
	_ =	sdelay $0x1  }
0x1a1: {  	v2 =	vld [tilespmem:s12+$0xFFFFFF20];
	_ =	sdelay $0x1  }
0x1a2: {  	v3 =	vld [tilespmem:s12+$0xFFFFFFA0]  }
0x1a3: {  	v0 =	vadd.f32 v1, v0  }
0x1a4: {  	v1 =	vld [tilespmem:s12+$0x20]  }
0x1a5: {  	v0 =	vadd.f32 v2, v0  }
0x1a6: {  	v2 =	vld [tilespmem:s12+$0xA0]  }
0x1a7: {  	v0 =	vadd.f32 v3, v0  }
0x1a8: {  	v3 =	vld [tilespmem:s12+$0x120]  }
0x1a9: {  	v0 =	vadd.f32 v1, v0  }
0x1aa: {  	v1 =	vld [tilespmem:s12+$0x1A0]  }
0x1ab: {  	v0 =	vadd.f32 v2, v0;
	_ =	sdelay $0x1  }
0x1ac: {  	v0 =	vadd.f32 v3, v0;
	_ =	sdelay $0x1  }
0x1ad: {  	v0 =	vadd.f32 v1, v0;
	_ =	sdelay $0x1  }
0x1ae: {  	[tilespmem:s13+$0x1B8A0] =	vst v0  }
0x1af: {  	v0 =	vld [tilespmem:s12+$0xFFFFFE30]  }
0x1b0: {  	v1 =	vld [tilespmem:s12+$0xFFFFFEB0];
	_ =	sdelay $0x1  }
0x1b1: {  	v2 =	vld [tilespmem:s12+$0xFFFFFF30];
	_ =	sdelay $0x1  }
0x1b2: {  	v3 =	vld [tilespmem:s12+$0xFFFFFFB0]  }
0x1b3: {  	v0 =	vadd.f32 v1, v0  }
0x1b4: {  	v1 =	vld [tilespmem:s12+$0x30]  }
0x1b5: {  	v0 =	vadd.f32 v2, v0  }
0x1b6: {  	v2 =	vld [tilespmem:s12+$0xB0]  }
0x1b7: {  	v0 =	vadd.f32 v3, v0  }
0x1b8: {  	v3 =	vld [tilespmem:s12+$0x130]  }
0x1b9: {  	v0 =	vadd.f32 v1, v0  }
0x1ba: {  	v1 =	vld [tilespmem:s12+$0x1B0]  }
0x1bb: {  	v0 =	vadd.f32 v2, v0;
	_ =	sdelay $0x1  }
0x1bc: {  	v0 =	vadd.f32 v3, v0;
	_ =	sdelay $0x1  }
0x1bd: {  	v0 =	vadd.f32 v1, v0;
	_ =	sdelay $0x1  }
0x1be: {  	[tilespmem:s13+$0x1B8B0] =	vst v0  }
0x1bf: {  	v0 =	vld [tilespmem:s12+$0xFFFFFE40]  }
0x1c0: {  	v1 =	vld [tilespmem:s12+$0xFFFFFEC0];
	_ =	sdelay $0x1  }
0x1c1: {  	v2 =	vld [tilespmem:s12+$0xFFFFFF40];
	_ =	sdelay $0x1  }
0x1c2: {  	v3 =	vld [tilespmem:s12+$0xFFFFFFC0]  }
0x1c3: {  	v0 =	vadd.f32 v1, v0  }
0x1c4: {  	v1 =	vld [tilespmem:s12+$0x40]  }
0x1c5: {  	v0 =	vadd.f32 v2, v0  }
0x1c6: {  	v2 =	vld [tilespmem:s12+$0xC0]  }
0x1c7: {  	v0 =	vadd.f32 v3, v0  }
0x1c8: {  	v3 =	vld [tilespmem:s12+$0x140]  }
0x1c9: {  	v0 =	vadd.f32 v1, v0  }
0x1ca: {  	v1 =	vld [tilespmem:s12+$0x1C0]  }
0x1cb: {  	v0 =	vadd.f32 v2, v0;
	_ =	sdelay $0x1  }
0x1cc: {  	v0 =	vadd.f32 v3, v0;
	_ =	sdelay $0x1  }
0x1cd: {  	v0 =	vadd.f32 v1, v0;
	_ =	sdelay $0x1  }
0x1ce: {  	[tilespmem:s13+$0x1B8C0] =	vst v0  }
0x1cf: {  	v0 =	vld [tilespmem:s12+$0xFFFFFE50]  }
0x1d0: {  	v1 =	vld [tilespmem:s12+$0xFFFFFED0];
	_ =	sdelay $0x1  }
0x1d1: {  	v2 =	vld [tilespmem:s12+$0xFFFFFF50];
	_ =	sdelay $0x1  }
0x1d2: {  	v3 =	vld [tilespmem:s12+$0xFFFFFFD0]  }
0x1d3: {  	v0 =	vadd.f32 v1, v0  }
0x1d4: {  	v1 =	vld [tilespmem:s12+$0x50]  }
0x1d5: {  	v0 =	vadd.f32 v2, v0  }
0x1d6: {  	v2 =	vld [tilespmem:s12+$0xD0]  }
0x1d7: {  	v0 =	vadd.f32 v3, v0  }
0x1d8: {  	v3 =	vld [tilespmem:s12+$0x150]  }
0x1d9: {  	v0 =	vadd.f32 v1, v0  }
0x1da: {  	v1 =	vld [tilespmem:s12+$0x1D0]  }
0x1db: {  	v0 =	vadd.f32 v2, v0;
	_ =	sdelay $0x1  }
0x1dc: {  	v0 =	vadd.f32 v3, v0;
	_ =	sdelay $0x1  }
0x1dd: {  	v0 =	vadd.f32 v1, v0;
	_ =	sdelay $0x1  }
0x1de: {  	[tilespmem:s13+$0x1B8D0] =	vst v0  }
0x1df: {  	v0 =	vld [tilespmem:s12+$0xFFFFFE60]  }
0x1e0: {  	v1 =	vld [tilespmem:s12+$0xFFFFFEE0];
	_ =	sdelay $0x1  }
0x1e1: {  	v2 =	vld [tilespmem:s12+$0xFFFFFF60];
	_ =	sdelay $0x1  }
0x1e2: {  	v3 =	vld [tilespmem:s12+$0xFFFFFFE0]  }
0x1e3: {  	v0 =	vadd.f32 v1, v0  }
0x1e4: {  	v1 =	vld [tilespmem:s12+$0x60]  }
0x1e5: {  	v0 =	vadd.f32 v2, v0  }
0x1e6: {  	v2 =	vld [tilespmem:s12+$0xE0]  }
0x1e7: {  	v0 =	vadd.f32 v3, v0  }
0x1e8: {  	v3 =	vld [tilespmem:s12+$0x160]  }
0x1e9: {  	v0 =	vadd.f32 v1, v0  }
0x1ea: {  	v1 =	vld [tilespmem:s12+$0x1E0]  }
0x1eb: {  	v0 =	vadd.f32 v2, v0;
	_ =	sdelay $0x1  }
0x1ec: {  	v0 =	vadd.f32 v3, v0;
	_ =	sdelay $0x1  }
0x1ed: {  	v0 =	vadd.f32 v1, v0;
	_ =	sdelay $0x1  }
0x1ee: {  	[tilespmem:s13+$0x1B8E0] =	vst v0  }
0x1ef: {  	v0 =	vld [tilespmem:s12+$0xFFFFFE70]  }
0x1f0: {  	v1 =	vld [tilespmem:s12+$0xFFFFFEF0];
	_ =	sdelay $0x1  }
0x1f1: {  	v2 =	vld [tilespmem:s12+$0xFFFFFF70];
	_ =	sdelay $0x1  }
0x1f2: {  	v4 =	vld [tilespmem:s12+$0xFFFFFFF0]  }
0x1f3: {  	v1 =	vadd.f32 v1, v0  }
0x1f4: {  	v3 =	vld [tilespmem:s12+$0x70]  }
0x1f5: {  	v0 =	vld [tilespmem:s12+$0xF0];
	v5 =	vadd.f32 v2, v1  }
0x1f6: {  	v1 =	vld [tilespmem:s12+$0x170]  }
0x1f7: {  	s15 =	simm.s32 $0x200;
	v2 =	vld [tilespmem:s12+$0x1F0];
	v4 =	vadd.f32 v4, v5  }
.LBB2_14:
0x1f8: {  	p0 =	sne.s32 s15, $0x3E00  }
0x1f9: {  	s12 =	sadd.s32 $0x400, s12;
	s16 =	smov.u32 s15;
	s15 =	sadd.s32 $0x200, s15;
	v3 =	vadd.f32 v3, v4  }
0x1fa: {  	_ = 	snop  }
0x1fb: {  	v0 =	vadd.f32 v0, v3;
	_ =	sdelay $0x1  }
0x1fc: {  	v0 =	vadd.f32 v1, v0;
	_ =	sdelay $0x1  }
0x1fd: {  	v0 =	vadd.f32 v2, v0;
	_ =	sdelay $0x1  }
0x1fe: {  	[tilespmem:s13+$0x1B8F0] =	vst v0  }
0x1ff: {  	v0 =	vld [tilespmem:s12+$0xFFFFFE80]  }
0x200: {  	v1 =	vld [tilespmem:s12+$0xFFFFFE00]  }
0x201: {  	v2 =	vld [tilespmem:s12+$0xFFFFFF00];
	_ =	sdelay $0x2  }
0x202: {  	v3 =	vld [tilespmem:s12+$0xFFFFFF80]  }
0x203: {  	v0 =	vadd.f32 v0, v1  }
0x204: {  	v1 =	vld [tilespmem:s12+$0x0]  }
0x205: {  	v0 =	vadd.f32 v2, v0  }
0x206: {  	v2 =	vld [tilespmem:s12+$0x80]  }
0x207: {  	v0 =	vadd.f32 v3, v0  }
0x208: {  	v3 =	vld [tilespmem:s12+$0x100]  }
0x209: {  	v0 =	vadd.f32 v1, v0  }
0x20a: {  	v1 =	vld [tilespmem:s12+$0x180]  }
0x20b: {  	v0 =	vadd.f32 v2, v0;
	_ =	sdelay $0x1  }
0x20c: {  	v0 =	vadd.f32 v3, v0;
	_ =	sdelay $0x1  }
0x20d: {  	v0 =	vadd.f32 v1, v0  }
0x20e: {  	s13 =	sshra.s32 s16, $0x2  }
0x20f: {  	[tilespmem:s13+$0x1B880] =	vst v0  }
0x210: {  	v0 =	vld [tilespmem:s12+$0xFFFFFE10]  }
0x211: {  	v1 =	vld [tilespmem:s12+$0xFFFFFE90];
	_ =	sdelay $0x1  }
0x212: {  	v2 =	vld [tilespmem:s12+$0xFFFFFF10];
	_ =	sdelay $0x1  }
0x213: {  	v3 =	vld [tilespmem:s12+$0xFFFFFF90]  }
0x214: {  	v0 =	vadd.f32 v1, v0  }
0x215: {  	v1 =	vld [tilespmem:s12+$0x10]  }
0x216: {  	v0 =	vadd.f32 v2, v0  }
0x217: {  	v2 =	vld [tilespmem:s12+$0x90]  }
0x218: {  	v0 =	vadd.f32 v3, v0  }
0x219: {  	v3 =	vld [tilespmem:s12+$0x110]  }
0x21a: {  	v0 =	vadd.f32 v1, v0  }
0x21b: {  	v1 =	vld [tilespmem:s12+$0x190]  }
0x21c: {  	v0 =	vadd.f32 v2, v0;
	_ =	sdelay $0x1  }
0x21d: {  	v0 =	vadd.f32 v3, v0;
	_ =	sdelay $0x1  }
0x21e: {  	v0 =	vadd.f32 v1, v0;
	_ =	sdelay $0x1  }
0x21f: {  	[tilespmem:s13+$0x1B890] =	vst v0  }
0x220: {  	v0 =	vld [tilespmem:s12+$0xFFFFFE20]  }
0x221: {  	v1 =	vld [tilespmem:s12+$0xFFFFFEA0];
	_ =	sdelay $0x1  }
0x222: {  	v2 =	vld [tilespmem:s12+$0xFFFFFF20];
	_ =	sdelay $0x1  }
0x223: {  	v3 =	vld [tilespmem:s12+$0xFFFFFFA0]  }
0x224: {  	v0 =	vadd.f32 v1, v0  }
0x225: {  	v1 =	vld [tilespmem:s12+$0x20]  }
0x226: {  	v0 =	vadd.f32 v2, v0  }
0x227: {  	v2 =	vld [tilespmem:s12+$0xA0]  }
0x228: {  	v0 =	vadd.f32 v3, v0  }
0x229: {  	v3 =	vld [tilespmem:s12+$0x120]  }
0x22a: {  	v0 =	vadd.f32 v1, v0  }
0x22b: {  	v1 =	vld [tilespmem:s12+$0x1A0]  }
0x22c: {  	v0 =	vadd.f32 v2, v0;
	_ =	sdelay $0x1  }
0x22d: {  	v0 =	vadd.f32 v3, v0;
	_ =	sdelay $0x1  }
0x22e: {  	v0 =	vadd.f32 v1, v0;
	_ =	sdelay $0x1  }
0x22f: {  	[tilespmem:s13+$0x1B8A0] =	vst v0  }
0x230: {  	v0 =	vld [tilespmem:s12+$0xFFFFFE30]  }
0x231: {  	v1 =	vld [tilespmem:s12+$0xFFFFFEB0];
	_ =	sdelay $0x1  }
0x232: {  	v2 =	vld [tilespmem:s12+$0xFFFFFF30];
	_ =	sdelay $0x1  }
0x233: {  	v3 =	vld [tilespmem:s12+$0xFFFFFFB0]  }
0x234: {  	v0 =	vadd.f32 v1, v0  }
0x235: {  	v1 =	vld [tilespmem:s12+$0x30]  }
0x236: {  	v0 =	vadd.f32 v2, v0  }
0x237: {  	v2 =	vld [tilespmem:s12+$0xB0]  }
0x238: {  	v0 =	vadd.f32 v3, v0  }
0x239: {  	v3 =	vld [tilespmem:s12+$0x130]  }
0x23a: {  	v0 =	vadd.f32 v1, v0  }
0x23b: {  	v1 =	vld [tilespmem:s12+$0x1B0]  }
0x23c: {  	v0 =	vadd.f32 v2, v0;
	_ =	sdelay $0x1  }
0x23d: {  	v0 =	vadd.f32 v3, v0;
	_ =	sdelay $0x1  }
0x23e: {  	v0 =	vadd.f32 v1, v0;
	_ =	sdelay $0x1  }
0x23f: {  	[tilespmem:s13+$0x1B8B0] =	vst v0  }
0x240: {  	v0 =	vld [tilespmem:s12+$0xFFFFFE40]  }
0x241: {  	v1 =	vld [tilespmem:s12+$0xFFFFFEC0];
	_ =	sdelay $0x1  }
0x242: {  	v2 =	vld [tilespmem:s12+$0xFFFFFF40];
	_ =	sdelay $0x1  }
0x243: {  	v3 =	vld [tilespmem:s12+$0xFFFFFFC0]  }
0x244: {  	v0 =	vadd.f32 v1, v0  }
0x245: {  	v1 =	vld [tilespmem:s12+$0x40]  }
0x246: {  	v0 =	vadd.f32 v2, v0  }
0x247: {  	v2 =	vld [tilespmem:s12+$0xC0]  }
0x248: {  	v0 =	vadd.f32 v3, v0  }
0x249: {  	v3 =	vld [tilespmem:s12+$0x140]  }
0x24a: {  	v0 =	vadd.f32 v1, v0  }
0x24b: {  	v1 =	vld [tilespmem:s12+$0x1C0]  }
0x24c: {  	v0 =	vadd.f32 v2, v0;
	_ =	sdelay $0x1  }
0x24d: {  	v0 =	vadd.f32 v3, v0;
	_ =	sdelay $0x1  }
0x24e: {  	v0 =	vadd.f32 v1, v0;
	_ =	sdelay $0x1  }
0x24f: {  	[tilespmem:s13+$0x1B8C0] =	vst v0  }
0x250: {  	v0 =	vld [tilespmem:s12+$0xFFFFFE50]  }
0x251: {  	v1 =	vld [tilespmem:s12+$0xFFFFFED0]  }
0x252: {  	v2 =	vld [tilespmem:s12+$0xFFFFFF50]  }
0x253: {  	v3 =	vld [tilespmem:s12+$0xFFFFFFD0]  }
0x254: {  	v4 =	vld [tilespmem:s12+$0x50]  }
0x255: {  	v5 =	vld [tilespmem:s12+$0xD0]  }
0x256: {  	v0 =	vadd.f32 v1, v0;
	v1 =	vld [tilespmem:s12+$0x150]  }
0x257: {  	v6 =	vld [tilespmem:s12+$0x1D0]  }
0x258: {  	v0 =	vadd.f32 v2, v0;
	_ =	sdelay $0x1  }
0x259: {  	v0 =	vadd.f32 v3, v0;
	_ =	sdelay $0x1  }
0x25a: {  	v0 =	vadd.f32 v4, v0;
	_ =	sdelay $0x1  }
0x25b: {  	v0 =	vadd.f32 v5, v0;
	_ =	sdelay $0x1  }
0x25c: {  	v0 =	vadd.f32 v1, v0;
	_ =	sdelay $0x1  }
0x25d: {  	v0 =	vadd.f32 v6, v0;
	_ =	sdelay $0x1  }
0x25e: {  	[tilespmem:s13+$0x1B8D0] =	vst v0  }
0x25f: {  	v0 =	vld [tilespmem:s12+$0xFFFFFE60]  }
0x260: {  	v1 =	vld [tilespmem:s12+$0xFFFFFEE0]  }
0x261: {  	v2 =	vld [tilespmem:s12+$0xFFFFFF60]  }
0x262: {  	v3 =	vld [tilespmem:s12+$0xFFFFFFE0]  }
0x263: {  	v4 =	vld [tilespmem:s12+$0x60]  }
0x264: {  	v5 =	vld [tilespmem:s12+$0xE0]  }
0x265: {  	v0 =	vadd.f32 v1, v0;
	v1 =	vld [tilespmem:s12+$0x160]  }
0x266: {  	v6 =	vld [tilespmem:s12+$0x1E0]  }
0x267: {  	v0 =	vadd.f32 v2, v0;
	_ =	sdelay $0x1  }
0x268: {  	v0 =	vadd.f32 v3, v0;
	_ =	sdelay $0x1  }
0x269: {  	v0 =	vadd.f32 v4, v0;
	_ =	sdelay $0x1  }
0x26a: {  	v0 =	vadd.f32 v5, v0;
	_ =	sdelay $0x1  }
0x26b: {  	v0 =	vadd.f32 v1, v0;
	_ =	sdelay $0x1  }
0x26c: {  	v0 =	vadd.f32 v6, v0;
	_ =	sdelay $0x1  }
0x26d: {  	[tilespmem:s13+$0x1B8E0] =	vst v0  }
0x26e: {  	v1 =	vld [tilespmem:s12+$0xFFFFFE70]  }
0x26f: {  	v2 =	vld [tilespmem:s12+$0xFFFFFEF0]  }
0x270: {  	v4 =	vld [tilespmem:s12+$0xFFFFFF70]  }
0x271: {  	v5 =	vld [tilespmem:s12+$0xFFFFFFF0]  }
0x272: {  	v3 =	vld [tilespmem:s12+$0x70]  }
0x273: {  	v0 =	vld [tilespmem:s12+$0xF0]  }
.Ltmp7:
0x274: {  	v6 =	vadd.f32 v2, v1;
	v1 =	vld [tilespmem:s12+$0x170];
	(pc) =	sbr.rel @p0 .LBB2_14-.Ltmp7, $3  }
0x275: {  	v2 =	vld [tilespmem:s12+$0x1F0]  }
0x276: {  	v4 =	vadd.f32 v4, v6;
	_ =	sdelay $0x1  }
0x277: {  	v4 =	vadd.f32 v5, v4  }
0x278: {  	_ = 	snop  }
0x279: {  	v3 =	vadd.f32 v3, v4;
	_ =	sdelay $0x1  }
0x27a: {  	v0 =	vadd.f32 v0, v3  }
0x27b: {  	s10 =	sadd.s32 $0x1, s10  }
0x27c: {  	p0 =	sne.s32 s10, $0x10;
	v0 =	vadd.f32 v1, v0  }
.Ltmp8:
0x27d: {  	_ = 	snop;
	(pc) =	sbr.rel @p0 .LBB2_2-.Ltmp8, $4  }
0x27e: {  	v0 =	vadd.f32 v2, v0  }
0x27f: {  	s11 =	sshll.u32 s11, $0x9  }
0x280: {  	s11 =	sadd.s32 s11, s14;
	[tilespmem:s13+$0x1B8F0] =	vst v0  }
0x281: {  	[hbm4b:s11+s6] =	stream.linear.scatter [tilespmem:s18], [sflag:$0x4], $0x1000, $0x38;
	[tilespmem:$0x1D880] =	vst v63  }
0x282: {  	_ =	swait.ge [sflag:s21], $0x2000  }
0x283: {  	[sflag:s21] =	ssyncset.done $0x0  }
0x284: {  	[sflag:s21] =	ssyncadd.s32 $0xFFFFE000  }
0x285: {  	_ =	swait.ge [sflag:s21], $0x2000  }
0x286: {  	[sflag:s21] =	ssyncset.done $0x0  }
0x287: {  	[sflag:s21] =	ssyncadd.s32 $0xFFFFE000  }
0x288: {  	_ =	swait.ge [sflag:s19], $0x1000  }
0x289: {  	[sflag:s19] =	ssyncset.done $0x0  }
0x28a: {  	[sflag:s19] =	ssyncadd.s32 $0xFFFFF000  }
0x28b: {  	_ =	swait.ge [sflag:s19], $0x1000  }
0x28c: {  	[sflag:s19] =	ssyncset.done $0x0  }
0x28d: {  	s10 =	simm.s32 $0x5;
	[sflag:s19] =	ssyncadd.s32 $0xFFFFF000  }
0x28e: {  	_ =	swait.ge [sflag:s10], $0x1000  }
0x28f: {  	[sflag:s10] =	ssyncset.done $0x0  }
0x290: {  	s11 =	simm.s32 $0x1C880;
	s16 =	rddreg [dreg:$0xc];
	[sflag:s10] =	ssyncadd.s32 $0xFFFFF000  }
0x291: {  	[hbm4b:s16+s6] =	stream.linear.scatter [tilespmem:s11], [sflag:$0x6], $0x1000, $0x38;
	[tilespmem:$0x1D880] =	vst v63  }
0x292: {  	_ =	swait.ge [sflag:s17], $0x1000  }
0x293: {  	s22 =	sadd.s32 $0x1, s22;
	s20 =	rddreg [dreg:$0xd]  }
0x294: {  	p0 =	sne.s32 s22, s20  }
.Ltmp9:
0x295: {  	_ = 	snop;
	(pc) =	sbr.rel @p0 .LBB2_1-.Ltmp9, $3  }
0x296: {  	_ =	sdelay $0x1  }
0x297: {  	[sflag:s17] =	ssyncset.done $0x0  }
0x298: {  	[sflag:s17] =	ssyncadd.s32 $0xFFFFF000  }
0x299: {  	_ =	sfence.sel $0x180000  }
0x29a: {  	[bflag:$0x0] =	sbarrier.arrive $0xFFFF  }
0x29b: {  	_ =	strace $0x90000047  }
0x29c: {  	s0 =	stileid.u32;
	[bflag:$0x2] =	sbarrier.arrive $0xFFFF  }
0x29d: {  	p0 =	sne.s32 s0, $0x0;
	s0 =	rddreg [dreg:$0x7]  }
0x29e: {  	s0 =	sadd.s32 @!p0 $0x100000, s0  }
0x29f: {  	[sflag:s0] =	ssyncadd.tile.s32 @!p0 $0x1;
	_ =	shalt  }
.Lfunc_end2:
_tile_overlayer_lowered:
.L_overlay_start_2:
0x2a0: {  	(tag) =	ssettag $0x2  }
0x2a1: {  	s0 =	rddreg [dreg:$0x0];
	s2 =	stileid.u32  }
0x2a2: {  	s1 =	rddreg [dreg:$0x1];
	p0 =	sne.s32 s2, $0x0  }
0x2a3: {  	s3 =	rddreg [dreg:$0x2];
	[bflag:$0x3] =	sbarrier.arrive $0xFFFF;
	s2 =	simm.s32 @!p0 $0x1C06  }
0x2a4: {  	[timem:s3], [sflag:s2] =	dma.local @!p0 [hbm:s0], s1  }
0x2a5: {  	s0 =	simm.s32 @!p0 $0x6  }
0x2a6: {  	_ =	swait.ge @!p0 [sflag:s0], s1  }
0x2a7: {  	s1 =	ssub.s32 @!p0 $0x0, s1;
	[sflag:s0] =	ssyncset.done @!p0 $0x0  }
0x2a8: {  	[sflag:s0] =	ssyncadd.s32 @!p0 s1  }
0x2a9: {  	[bflag:$0x3] =	sbarrier.arrive $0xFFFF  }
0x2aa: {  	_ =	shalt  }

</sc_bundles>
